<compile_context>
chip_gen: v7x
topology: tpu7x:2x2x1
jax: 0.10.2.dev20260603
libtpu: 0.0.44.dev20260713+nightly
codegen_flags: <defaults>
</compile_context>

<pallas_src>
import functools

import jax
import jax.numpy as jnp
from jax import lax
from jax.experimental import pallas as pl
from jax.experimental.pallas import tpu as pltpu
from jax.experimental.pallas import tpu_sc as plsc

H_BEV = 200
W_BEV = 200
RES = 0.5
HF, WF = 32, 88
HP, WP = HF + 2, WF + 2
NV = HF * WF
CHUNK = 8 * W_BEV
NCHUNK = (H_BEV * W_BEV) // CHUNK


def _main_kernel(xp_ref, w9_ref, b1_ref, gamma_ref, beta_ref, w2_ref, b2_ref,
                 bins_ref, kinv_ref, uvh_ref, up_ref, vp_ref,
                 dist_ref, expd_ref, xo_ref, yo_ref, zo_ref, flats_ref):
    acc = jnp.zeros((NV, 128), jnp.float32)
    for dy in range(3):
        for dx in range(3):
            xs = xp_ref[dy:dy + HF, dx:dx + WF, :].reshape(NV, 256)
            acc = acc + jnp.dot(xs, w9_ref[dy * 3 + dx],
                                preferred_element_type=jnp.float32)
    h = acc + b1_ref[0, :][None, :]
    inv_n = 1.0 / NV
    mu = jnp.sum(h, axis=0, keepdims=True) * inv_n
    var = jnp.sum((h - mu) ** 2, axis=0, keepdims=True) * inv_n
    hn = (h - mu) / jnp.sqrt(var + 1e-5)
    hn = hn * gamma_ref[0, :][None, :] + beta_ref[0, :][None, :]
    hn = jnp.maximum(hn, 0.0)
    logits = jnp.dot(hn, w2_ref[...], preferred_element_type=jnp.float32)
    logits = logits + b2_ref[0, :][None, :]
    mx = jnp.max(logits, axis=1, keepdims=True)
    e = jnp.exp(logits - mx)
    dist = e / jnp.sum(e, axis=1, keepdims=True)

    dist3 = dist.reshape(HF, WF, 64)
    expd_ref[...] = jnp.sum(dist3 * bins_ref[0, :][None, None, :], axis=2)
    for y in range(HF):
        dist_ref[:, y, :] = dist3[y].T
    d = jnp.sum(dist) * (inv_n / 64.0)

    up = up_ref[...]
    vp = vp_ref[...]
    k = kinv_ref
    xo_ref[...] = (up * k[0, 0] + vp * k[0, 1] + k[0, 2]) * d
    yo_ref[...] = (up * k[0, 3] + vp * k[0, 4] + k[0, 5]) * d
    zo_ref[...] = (up * k[0, 6] + vp * k[0, 7] + k[0, 8]) * d

    x_min = -(H_BEV * RES / 2.0)
    u0, v0 = uvh_ref[0, 0], uvh_ref[0, 1]
    u1, v1 = uvh_ref[0, 2], uvh_ref[0, 3]
    flat = [None] * 3
    for j in range(3):
        px = (u0 * k[0, 3 * j] + v0 * k[0, 3 * j + 1] + k[0, 3 * j + 2]) * d
        py = (u1 * k[0, 3 * j] + v1 * k[0, 3 * j + 1] + k[0, 3 * j + 2]) * d
        gx = jnp.clip(((px - x_min) / RES).astype(jnp.int32), 0, W_BEV - 1)
        gy = jnp.clip(((py - x_min) / RES).astype(jnp.int32), 0, H_BEV - 1)
        flat[j] = gy * W_BEV + gx
    lane = jax.lax.broadcasted_iota(jnp.int32, (1, 48), 1)
    flats_ref[...] = jnp.where(
        lane < 16, flat[0], jnp.where(lane < 32, flat[1], flat[2]))


def _sc_splat_body(flats_hbm, out_hbm, flats_v, buf_v):
    wid = lax.axis_index("s") * 2 + lax.axis_index("c")

    @pl.when(wid < NCHUNK)
    def _():
        pltpu.sync_copy(flats_hbm, flats_v)
        lane = lax.broadcasted_iota(jnp.int32, (16,), 0)
        b0 = flats_v[pl.ds(0, 16)]
        b1 = flats_v[pl.ds(16, 16)]
        b2 = flats_v[pl.ds(32, 16)]
        base = wid * CHUNK

        def _fill(i, carry):
            cell = base + i * 16 + lane
            m = (cell == b0) | (cell == b1) | (cell == b2)
            buf_v[pl.ds(i * 16, 16)] = jnp.where(m, 1.0, 0.0)
            return carry

        lax.fori_loop(0, CHUNK // 16, _fill, 0)
        pltpu.sync_copy(buf_v, out_hbm.at[pl.ds(base, CHUNK)])


def _sc_splat(flats):
    mesh = plsc.VectorSubcoreMesh(core_axis_name="c", subcore_axis_name="s")
    k = functools.partial(
        pl.kernel,
        mesh=mesh,
        out_type=jax.ShapeDtypeStruct((H_BEV * W_BEV,), jnp.float32),
        scratch_types=[
            pltpu.VMEM((48,), jnp.int32),
            pltpu.VMEM((CHUNK,), jnp.float32),
        ],
    )(_sc_splat_body)
    return k(flats)


def kernel(camera_features, pixels_uv, K_inv, conv1_w, conv1_b, bn_gamma,
           bn_beta, conv2_w, conv2_b, depth_bins):
    xp3 = jnp.zeros((HP, WP, 256), jnp.float32)
    xp3 = xp3.at[1:1 + HF, 1:1 + WF, :].set(camera_features[0].transpose(1, 2, 0))
    w9 = conv1_w.transpose(2, 3, 1, 0).reshape(9, 256, 128)
    w2 = conv2_w[:, :, 0, 0].T

    npts = pixels_uv.shape[1]
    up = pixels_uv[0, :, 0]
    vp = pixels_uv[0, :, 1]
    uvh = jnp.stack([up[0], vp[0], up[1], vp[1]]).reshape(1, 4)
    kinv = K_inv[0].reshape(1, 9)

    dist, expd, xo, yo, zo, flats = pl.pallas_call(
        _main_kernel,
        out_shape=(
            jax.ShapeDtypeStruct((64, HF, WF), jnp.float32),
            jax.ShapeDtypeStruct((HF, WF), jnp.float32),
            jax.ShapeDtypeStruct((npts,), jnp.float32),
            jax.ShapeDtypeStruct((npts,), jnp.float32),
            jax.ShapeDtypeStruct((npts,), jnp.float32),
            jax.ShapeDtypeStruct((1, 48), jnp.int32),
        ),
    )(xp3, w9, conv1_b.reshape(1, 128), bn_gamma.reshape(1, 128),
      bn_beta.reshape(1, 128), w2, conv2_b.reshape(1, 64),
      depth_bins.reshape(1, 64), kinv, uvh, up, vp)

    depth_dist = dist[None]
    exp_depth = expd[None]
    pts3d = jnp.stack([xo, yo, zo], axis=-1).reshape(1, 1, npts, 3)
    bev_grid = _sc_splat(flats.reshape(48)).reshape(1, H_BEV, W_BEV)
    return bev_grid, depth_dist, exp_depth, pts3d

# --- scband reference (transcript-rebuilt; emitter-appended) ---
"""Pipeline reference for scband-camera-only-bev-47107201302835 (READ-ONLY COPY).

The authoritative reference and input builder live on the scoring server;
editing this copy changes nothing except your own understanding.
"""

import jax, jax.numpy as jnp
import numpy as np

H_BEV = 200
W_BEV = 200
RES = 0.5


def setup_inputs(seed: int = 0) -> dict:
    key = jax.random.key(seed)
    ks = jax.random.split(key, 6)
    camera_features = jax.random.normal(ks[0], (1, 256, 32, 88), dtype=jnp.float32)
    pixels_uv = jax.random.uniform(ks[1], (1, 1000000, 2), dtype=jnp.float32)
    K_inv = jax.random.normal(ks[2], (1, 3, 3), dtype=jnp.float32)
    conv1_w = jax.random.normal(ks[3], (128, 256, 3, 3), dtype=jnp.float32) * 0.02
    conv1_b = jnp.zeros((128,), dtype=jnp.float32)
    bn_gamma = jnp.ones((128,), dtype=jnp.float32)
    bn_beta = jnp.zeros((128,), dtype=jnp.float32)
    conv2_w = jax.random.normal(ks[4], (64, 128, 1, 1), dtype=jnp.float32) * 0.05
    conv2_b = jnp.zeros((64,), dtype=jnp.float32)
    depth_bins = jnp.linspace(1.0, 60.0, 64).astype(jnp.float32)
    return {
        'camera_features': camera_features,
        'pixels_uv': pixels_uv,
        'K_inv': K_inv,
        'conv1_w': conv1_w,
        'conv1_b': conv1_b,
        'bn_gamma': bn_gamma,
        'bn_beta': bn_beta,
        'conv2_w': conv2_w,
        'conv2_b': conv2_b,
        'depth_bins': depth_bins,
    }


def _forward(camera_features, pixels_uv, K_inv, conv1_w, conv1_b, bn_gamma, bn_beta, conv2_w, conv2_b, depth_bins):
    dn = ('NCHW', 'OIHW', 'NCHW')
    # MonocularDepthHead: Conv3x3 -> BatchNorm(train-mode batch stats) -> ReLU -> Conv1x1 -> softmax over depth bins
    h = jax.lax.conv_general_dilated(camera_features, conv1_w, (1, 1), 'SAME', dimension_numbers=dn)
    h = h + conv1_b[None, :, None, None]
    mu = h.mean(axis=(0, 2, 3), keepdims=True)
    var = h.var(axis=(0, 2, 3), keepdims=True)
    h = (h - mu) / jnp.sqrt(var + 1e-5)
    h = h * bn_gamma[None, :, None, None] + bn_beta[None, :, None, None]
    h = jax.nn.relu(h)
    logits = jax.lax.conv_general_dilated(h, conv2_w, (1, 1), 'SAME', dimension_numbers=dn)
    logits = logits + conv2_b[None, :, None, None]
    depth_dist = jax.nn.softmax(logits, axis=1)

    # lift_to_3d (faithful, including the torch broadcasting of [B,N,3]*[B,1,1,1] -> [B,B,N,3])
    B, N, _ = pixels_uv.shape
    exp_d = depth_dist.mean(axis=1)  # [B, Hf, Wf]
    homo = jnp.concatenate([pixels_uv, jnp.ones((B, N, 1), dtype=pixels_uv.dtype)], axis=-1)
    pts = jnp.einsum('bni,bji->bnj', homo, K_inv)  # homo @ K_inv^T
    depth = exp_d.mean(axis=(1, 2), keepdims=True)[:, :, :, None]  # [B,1,1,1]
    pts3d = pts * depth  # numpy/torch broadcasting -> [B, B, N, 3]

    # splat_to_bev (faithful: pts3d[:, :, 0] slices the N axis at 0 since pts3d is rank-4)
    B0 = pts3d.shape[0]
    x_min = -(H_BEV * RES / 2.0)
    gx = jnp.clip(((pts3d[:, :, 0] - x_min) / RES).astype(jnp.int32), 0, W_BEV - 1)
    gy = jnp.clip(((pts3d[:, :, 1] - x_min) / RES).astype(jnp.int32), 0, H_BEV - 1)
    grid = jnp.zeros((B0, H_BEV, W_BEV), dtype=pts3d.dtype)
    vals = jnp.ones((gx.shape[1],), dtype=grid.dtype)
    for bb in range(B0):
        upd = jnp.broadcast_to(vals, gy[bb].shape)
        grid = grid.at[bb].set(grid[bb].at[gy[bb], gx[bb]].add(upd))
    bev_grid = jnp.clip(grid, 0.0, 1.0)

    exp_depth = (depth_dist * depth_bins.reshape(1, -1, 1, 1)).sum(axis=1)
    return bev_grid, depth_dist, exp_depth, pts3d


def reference(camera_features, pixels_uv, K_inv, conv1_w, conv1_b, bn_gamma, bn_beta, conv2_w, conv2_b, depth_bins):
    return _forward(camera_features, pixels_uv, K_inv, conv1_w, conv1_b, bn_gamma, bn_beta, conv2_w, conv2_b, depth_bins)

if __name__ == "__main__":
    import jax
    _d = setup_inputs()
    print(jax.jit(kernel)(*tuple(_d.values())))

</pallas_src>

<mosaic_0001>
#map = affine_map<(d0, d1) -> (0)>
module attributes {stable_mosaic.version = 14 : i64} {
  func.func @_sc_splat_body(%arg0: i32, %arg1: i32, %arg2: memref<48xi32, #tpu.memory_space<hbm>>, %arg3: memref<40000xf32, #tpu.memory_space<hbm>>, %arg4: memref<48xi32, #tpu.memory_space<vmem>>, %arg5: memref<1600xf32, #tpu.memory_space<vmem>>) attributes {dimension_semantics = [#tpu.dimension_semantics<core_parallel>, #tpu.dimension_semantics<subcore_parallel>], iteration_bounds = array<i64: 2, 16>, scalar_prefetch = 0 : i64, scratch_operands = 2 : i64, tpu.core_type = #tpu.core_type<sc_vector_subcore>, window_params = [{transform_indices = #map}, {transform_indices = #map}]} {
    %mul3A = arith.constant 2 : i32
    %mul3A_0 = arith.muli %arg1, %mul3A : i32
    %add3A = arith.addi %mul3A_0, %arg0 : i32
    %lt3A = arith.constant 25 : i32
    %lt3A_1 = arith.cmpi slt, %add3A, %lt3A : i32
    %convert_element_type3A = arith.extui %lt3A_1 : i1 to i32
    %cond3A = arith.constant 0 : i32
    %cond3A_2 = arith.cmpi ne, %convert_element_type3A, %cond3A : i32
    scf.if %cond3A_2 {
      "tpu.region"() ({
        %run_scoped3A = tpu.sem_alloc : memref<!tpu.dma_semaphore, #tpu.memory_space<semaphore_mem>>
        tpu.enqueue_dma source(%arg2 : memref<48xi32, #tpu.memory_space<hbm>>) target(%arg4 : memref<48xi32, #tpu.memory_space<vmem>>) target_semaphore(%run_scoped3A : memref<!tpu.dma_semaphore, #tpu.memory_space<semaphore_mem>>)
        tpu.wait_dma2 semaphore(%run_scoped3A : memref<!tpu.dma_semaphore, #tpu.memory_space<semaphore_mem>>) src(%arg2 : memref<48xi32, #tpu.memory_space<hbm>>) dst(%arg4 : memref<48xi32, #tpu.memory_space<vmem>>)
        tpu.yield
      }) : () -> ()
      %iota3A = tpu.iota {dimensions = array<i32: 0>} : vector<16xi32>
      %get3A = arith.constant 0 : index
      %get3A_3 = tpu.vector_load %arg4[%get3A] {strides = array<i32>} : memref<48xi32, #tpu.memory_space<vmem>>, vector<16xi32>,
      %get3A_4 = vector.shape_cast %get3A_3 : vector<16xi32> to vector<16xi32>
      %get3A_5 = arith.constant 16 : index
      %get3A_6 = tpu.vector_load %arg4[%get3A_5] {strides = array<i32>} : memref<48xi32, #tpu.memory_space<vmem>>, vector<16xi32>,
      %get3A_7 = vector.shape_cast %get3A_6 : vector<16xi32> to vector<16xi32>
      %get3A_8 = arith.constant 32 : index
      %get3A_9 = tpu.vector_load %arg4[%get3A_8] {strides = array<i32>} : memref<48xi32, #tpu.memory_space<vmem>>, vector<16xi32>,
      %get3A_10 = vector.shape_cast %get3A_9 : vector<16xi32> to vector<16xi32>
      %mul3A_11 = arith.constant 1600 : i32
      %mul3A_12 = arith.muli %add3A, %mul3A_11 : i32
      %scan3A = arith.constant 0 : i32
      %scan3A_13 = arith.constant 0 : i32
      %scan3A_14 = arith.constant 100 : i32
      %scan3A_15 = arith.addi %scan3A_13, %scan3A_14 : i32
      %scan3A_16 = arith.constant 1 : i32
      scf.for %scan3A_18 = %scan3A_13 to %scan3A_15 step %scan3A_16  : i32 {
        %mul3A_19 = arith.constant 16 : i32
        %mul3A_20 = arith.muli %scan3A_18, %mul3A_19 : i32
        %add3A_21 = arith.addi %mul3A_12, %mul3A_20 : i32
        %add3A_22 = vector.broadcast %add3A_21 : i32 to vector<16xi32>
        %add3A_23 = arith.addi %add3A_22, %iota3A : vector<16xi32>
        %eq3A = arith.cmpi eq, %add3A_23, %get3A_4 : vector<16xi32>
        %eq3A_24 = arith.cmpi eq, %add3A_23, %get3A_7 : vector<16xi32>
        %or3A = arith.ori %eq3A, %eq3A_24 : vector<16xi1>
        %eq3A_25 = arith.cmpi eq, %add3A_23, %get3A_10 : vector<16xi32>
        %or3A_26 = arith.ori %or3A, %eq3A_25 : vector<16xi1>
        %jit3A = arith.constant 1.000000e+00 : f32
        %jit3A_27 = arith.constant 0.000000e+00 : f32
        %broadcast_in_dim3A = vector.broadcast %jit3A : f32 to vector<16xf32>
        %broadcast_in_dim3A_28 = vector.broadcast %jit3A_27 : f32 to vector<16xf32>
        %select_n3A = arith.select %or3A_26, %broadcast_in_dim3A, %broadcast_in_dim3A_28 : vector<16xi1>, vector<16xf32>
        %mul3A_29 = arith.constant 16 : i32
        %mul3A_30 = arith.muli %scan3A_18, %mul3A_29 : i32
        %swap3A = arith.index_cast %mul3A_30 : i32 to index
        %swap3A_31 = tpu.vector_load %arg5[%swap3A] {strides = array<i32>} : memref<1600xf32, #tpu.memory_space<vmem>>, vector<16xf32>,
        %swap3A_32 = vector.shape_cast %swap3A_31 : vector<16xf32> to vector<16xf32>
        %swap3A_33 = vector.shape_cast %select_n3A : vector<16xf32> to vector<16xf32>
        tpu.vector_store %arg5[%swap3A], %swap3A_33 {strides = array<i32>} : memref<1600xf32, #tpu.memory_space<vmem>>, vector<16xf32>,
      }
      %scan3A_17 = arith.constant 100 : i32
      "tpu.region"() ({
        %run_scoped3A = tpu.sem_alloc : memref<!tpu.dma_semaphore, #tpu.memory_space<semaphore_mem>>
        %dma_start3A = tpu.memref_slice %arg3[%mul3A_12] : memref<40000xf32, #tpu.memory_space<hbm>> -> memref<1600xf32, #tpu.memory_space<hbm>>
        %dma_start3A_18 = tpu.memref_slice %arg3[%mul3A_12] : memref<40000xf32, #tpu.memory_space<hbm>> -> memref<1600xf32, #tpu.memory_space<hbm>>
        tpu.enqueue_dma source(%arg5 : memref<1600xf32, #tpu.memory_space<vmem>>) target(%dma_start3A_18 : memref<1600xf32, #tpu.memory_space<hbm>>) target_semaphore(%run_scoped3A : memref<!tpu.dma_semaphore, #tpu.memory_space<semaphore_mem>>)
        %dma_wait3A = tpu.memref_slice %arg3[%mul3A_12] : memref<40000xf32, #tpu.memory_space<hbm>> -> memref<1600xf32, #tpu.memory_space<hbm>>
        %dma_wait3A_19 = tpu.memref_slice %arg3[%mul3A_12] : memref<40000xf32, #tpu.memory_space<hbm>> -> memref<1600xf32, #tpu.memory_space<hbm>>
        tpu.wait_dma2 semaphore(%run_scoped3A : memref<!tpu.dma_semaphore, #tpu.memory_space<semaphore_mem>>) src(%arg5 : memref<1600xf32, #tpu.memory_space<vmem>>) dst(%dma_wait3A_19 : memref<1600xf32, #tpu.memory_space<hbm>>)
        tpu.yield
      }) : () -> ()
    } else {
    }
    return
  }
}

module attributes {stable_mosaic.version = 14 : i64} {
  func.func @_main_kernel(%arg0: memref<34x90x256xf32, #tpu.memory_space<vmem>>, %arg1: memref<9x256x128xf32, #tpu.memory_space<vmem>>, %arg2: memref<1x128xf32, #tpu.memory_space<vmem>>, %arg3: memref<1x128xf32, #tpu.memory_space<vmem>>, %arg4: memref<1x128xf32, #tpu.memory_space<vmem>>, %arg5: memref<128x64xf32, #tpu.memory_space<vmem>>, %arg6: memref<1x64xf32, #tpu.memory_space<vmem>>, %arg7: memref<1x64xf32, #tpu.memory_space<vmem>>, %arg8: memref<1x9xf32, #tpu.memory_space<vmem>>, %arg9: memref<1x4xf32, #tpu.memory_space<vmem>>, %arg10: memref<1000000xf32, #tpu.memory_space<vmem>>, %arg11: memref<1000000xf32, #tpu.memory_space<vmem>>, %arg12: memref<64x32x88xf32, #tpu.memory_space<vmem>>, %arg13: memref<32x88xf32, #tpu.memory_space<vmem>>, %arg14: memref<1000000xf32, #tpu.memory_space<vmem>>, %arg15: memref<1000000xf32, #tpu.memory_space<vmem>>, %arg16: memref<1000000xf32, #tpu.memory_space<vmem>>, %arg17: memref<1x48xi32, #tpu.memory_space<vmem>>) attributes {dimension_semantics = [], scalar_prefetch = 0 : i64, scratch_operands = 0 : i64, tpu.core_type = #tpu.core_type<tc>} {
    %broadcast_in_dim3A = arith.constant 0.000000e+00 : f32
    %broadcast_in_dim3A_0 = vector.broadcast %broadcast_in_dim3A : f32 to vector<2816x128xf32>
    %get3A = arith.constant 0 : index
    %get3A_1 = arith.constant 0 : index
    %get3A_2 = arith.constant 0 : index
    %get3A_3 = vector.load %arg0[%get3A, %get3A_1, %get3A_2] : memref<34x90x256xf32, #tpu.memory_space<vmem>>, vector<32x88x256xf32>
    %reshape3A = vector.shape_cast %get3A_3 : vector<32x88x256xf32> to vector<2816x256xf32>
    %get3A_4 = arith.constant 0 : index
    %get3A_5 = arith.constant 0 : index
    %get3A_6 = arith.constant 0 : index
    %get3A_7 = vector.load %arg1[%get3A_4, %get3A_5, %get3A_6] : memref<9x256x128xf32, #tpu.memory_space<vmem>>, vector<1x256x128xf32>
    %get3A_8 = vector.shape_cast %get3A_7 : vector<1x256x128xf32> to vector<256x128xf32>
    %dot_general3A = arith.constant dense<0.000000e+00> : vector<2816x128xf32>
    %dot_general3A_9 = tpu.matmul %reshape3A, %get3A_8, %dot_general3A {dimension_numbers = #tpu.dot_dimension_numbers<[1], [0], [0], [1], [0, 0, 1, 1], [], []>, transpose_lhs_hint = false} : vector<2816x256xf32>, vector<256x128xf32>, vector<2816x128xf32> -> vector<2816x128xf32>
    %add3A = arith.addf %broadcast_in_dim3A_0, %dot_general3A_9 : vector<2816x128xf32>
    %get3A_10 = arith.constant 0 : index
    %get3A_11 = arith.constant 1 : index
    %get3A_12 = arith.constant 0 : index
    %get3A_13 = vector.load %arg0[%get3A_10, %get3A_11, %get3A_12] : memref<34x90x256xf32, #tpu.memory_space<vmem>>, vector<32x88x256xf32>
    %reshape3A_14 = vector.shape_cast %get3A_13 : vector<32x88x256xf32> to vector<2816x256xf32>
    %get3A_15 = arith.constant 1 : index
    %get3A_16 = arith.constant 0 : index
    %get3A_17 = arith.constant 0 : index
    %get3A_18 = vector.load %arg1[%get3A_15, %get3A_16, %get3A_17] : memref<9x256x128xf32, #tpu.memory_space<vmem>>, vector<1x256x128xf32>
    %get3A_19 = vector.shape_cast %get3A_18 : vector<1x256x128xf32> to vector<256x128xf32>
    %dot_general3A_20 = arith.constant dense<0.000000e+00> : vector<2816x128xf32>
    %dot_general3A_21 = tpu.matmul %reshape3A_14, %get3A_19, %dot_general3A_20 {dimension_numbers = #tpu.dot_dimension_numbers<[1], [0], [0], [1], [0, 0, 1, 1], [], []>, transpose_lhs_hint = false} : vector<2816x256xf32>, vector<256x128xf32>, vector<2816x128xf32> -> vector<2816x128xf32>
    %add3A_22 = arith.addf %add3A, %dot_general3A_21 : vector<2816x128xf32>
    %get3A_23 = arith.constant 0 : index
    %get3A_24 = arith.constant 2 : index
    %get3A_25 = arith.constant 0 : index
    %get3A_26 = vector.load %arg0[%get3A_23, %get3A_24, %get3A_25] : memref<34x90x256xf32, #tpu.memory_space<vmem>>, vector<32x88x256xf32>
    %reshape3A_27 = vector.shape_cast %get3A_26 : vector<32x88x256xf32> to vector<2816x256xf32>
    %get3A_28 = arith.constant 2 : index
    %get3A_29 = arith.constant 0 : index
    %get3A_30 = arith.constant 0 : index
    %get3A_31 = vector.load %arg1[%get3A_28, %get3A_29, %get3A_30] : memref<9x256x128xf32, #tpu.memory_space<vmem>>, vector<1x256x128xf32>
    %get3A_32 = vector.shape_cast %get3A_31 : vector<1x256x128xf32> to vector<256x128xf32>
    %dot_general3A_33 = arith.constant dense<0.000000e+00> : vector<2816x128xf32>
    %dot_general3A_34 = tpu.matmul %reshape3A_27, %get3A_32, %dot_general3A_33 {dimension_numbers = #tpu.dot_dimension_numbers<[1], [0], [0], [1], [0, 0, 1, 1], [], []>, transpose_lhs_hint = false} : vector<2816x256xf32>, vector<256x128xf32>, vector<2816x128xf32> -> vector<2816x128xf32>
    %add3A_35 = arith.addf %add3A_22, %dot_general3A_34 : vector<2816x128xf32>
    %get3A_36 = arith.constant 1 : index
    %get3A_37 = arith.constant 0 : index
    %get3A_38 = arith.constant 0 : index
    %get3A_39 = vector.load %arg0[%get3A_36, %get3A_37, %get3A_38] : memref<34x90x256xf32, #tpu.memory_space<vmem>>, vector<32x88x256xf32>
    %reshape3A_40 = vector.shape_cast %get3A_39 : vector<32x88x256xf32> to vector<2816x256xf32>
    %get3A_41 = arith.constant 3 : index
    %get3A_42 = arith.constant 0 : index
    %get3A_43 = arith.constant 0 : index
    %get3A_44 = vector.load %arg1[%get3A_41, %get3A_42, %get3A_43] : memref<9x256x128xf32, #tpu.memory_space<vmem>>, vector<1x256x128xf32>
    %get3A_45 = vector.shape_cast %get3A_44 : vector<1x256x128xf32> to vector<256x128xf32>
    %dot_general3A_46 = arith.constant dense<0.000000e+00> : vector<2816x128xf32>
    %dot_general3A_47 = tpu.matmul %reshape3A_40, %get3A_45, %dot_general3A_46 {dimension_numbers = #tpu.dot_dimension_numbers<[1], [0], [0], [1], [0, 0, 1, 1], [], []>, transpose_lhs_hint = false} : vector<2816x256xf32>, vector<256x128xf32>, vector<2816x128xf32> -> vector<2816x128xf32>
    %add3A_48 = arith.addf %add3A_35, %dot_general3A_47 : vector<2816x128xf32>
    %get3A_49 = arith.constant 1 : index
    %get3A_50 = arith.constant 1 : index
    %get3A_51 = arith.constant 0 : index
    %get3A_52 = vector.load %arg0[%get3A_49, %get3A_50, %get3A_51] : memref<34x90x256xf32, #tpu.memory_space<vmem>>, vector<32x88x256xf32>
    %reshape3A_53 = vector.shape_cast %get3A_52 : vector<32x88x256xf32> to vector<2816x256xf32>
    %get3A_54 = arith.constant 4 : index
    %get3A_55 = arith.constant 0 : index
    %get3A_56 = arith.constant 0 : index
    %get3A_57 = vector.load %arg1[%get3A_54, %get3A_55, %get3A_56] : memref<9x256x128xf32, #tpu.memory_space<vmem>>, vector<1x256x128xf32>
    %get3A_58 = vector.shape_cast %get3A_57 : vector<1x256x128xf32> to vector<256x128xf32>
    %dot_general3A_59 = arith.constant dense<0.000000e+00> : vector<2816x128xf32>
    %dot_general3A_60 = tpu.matmul %reshape3A_53, %get3A_58, %dot_general3A_59 {dimension_numbers = #tpu.dot_dimension_numbers<[1], [0], [0], [1], [0, 0, 1, 1], [], []>, transpose_lhs_hint = false} : vector<2816x256xf32>, vector<256x128xf32>, vector<2816x128xf32> -> vector<2816x128xf32>
    %add3A_61 = arith.addf %add3A_48, %dot_general3A_60 : vector<2816x128xf32>
    %get3A_62 = arith.constant 1 : index
    %get3A_63 = arith.constant 2 : index
    %get3A_64 = arith.constant 0 : index
    %get3A_65 = vector.load %arg0[%get3A_62, %get3A_63, %get3A_64] : memref<34x90x256xf32, #tpu.memory_space<vmem>>, vector<32x88x256xf32>
    %reshape3A_66 = vector.shape_cast %get3A_65 : vector<32x88x256xf32> to vector<2816x256xf32>
    %get3A_67 = arith.constant 5 : index
    %get3A_68 = arith.constant 0 : index
    %get3A_69 = arith.constant 0 : index
    %get3A_70 = vector.load %arg1[%get3A_67, %get3A_68, %get3A_69] : memref<9x256x128xf32, #tpu.memory_space<vmem>>, vector<1x256x128xf32>
    %get3A_71 = vector.shape_cast %get3A_70 : vector<1x256x128xf32> to vector<256x128xf32>
    %dot_general3A_72 = arith.constant dense<0.000000e+00> : vector<2816x128xf32>
    %dot_general3A_73 = tpu.matmul %reshape3A_66, %get3A_71, %dot_general3A_72 {dimension_numbers = #tpu.dot_dimension_numbers<[1], [0], [0], [1], [0, 0, 1, 1], [], []>, transpose_lhs_hint = false} : vector<2816x256xf32>, vector<256x128xf32>, vector<2816x128xf32> -> vector<2816x128xf32>
    %add3A_74 = arith.addf %add3A_61, %dot_general3A_73 : vector<2816x128xf32>
    %get3A_75 = arith.constant 2 : index
    %get3A_76 = arith.constant 0 : index
    %get3A_77 = arith.constant 0 : index
    %get3A_78 = vector.load %arg0[%get3A_75, %get3A_76, %get3A_77] : memref<34x90x256xf32, #tpu.memory_space<vmem>>, vector<32x88x256xf32>
    %reshape3A_79 = vector.shape_cast %get3A_78 : vector<32x88x256xf32> to vector<2816x256xf32>
    %get3A_80 = arith.constant 6 : index
    %get3A_81 = arith.constant 0 : index
    %get3A_82 = arith.constant 0 : index
    %get3A_83 = vector.load %arg1[%get3A_80, %get3A_81, %get3A_82] : memref<9x256x128xf32, #tpu.memory_space<vmem>>, vector<1x256x128xf32>
    %get3A_84 = vector.shape_cast %get3A_83 : vector<1x256x128xf32> to vector<256x128xf32>
    %dot_general3A_85 = arith.constant dense<0.000000e+00> : vector<2816x128xf32>
    %dot_general3A_86 = tpu.matmul %reshape3A_79, %get3A_84, %dot_general3A_85 {dimension_numbers = #tpu.dot_dimension_numbers<[1], [0], [0], [1], [0, 0, 1, 1], [], []>, transpose_lhs_hint = false} : vector<2816x256xf32>, vector<256x128xf32>, vector<2816x128xf32> -> vector<2816x128xf32>
    %add3A_87 = arith.addf %add3A_74, %dot_general3A_86 : vector<2816x128xf32>
    %get3A_88 = arith.constant 2 : index
    %get3A_89 = arith.constant 1 : index
    %get3A_90 = arith.constant 0 : index
    %get3A_91 = vector.load %arg0[%get3A_88, %get3A_89, %get3A_90] : memref<34x90x256xf32, #tpu.memory_space<vmem>>, vector<32x88x256xf32>
    %reshape3A_92 = vector.shape_cast %get3A_91 : vector<32x88x256xf32> to vector<2816x256xf32>
    %get3A_93 = arith.constant 7 : index
    %get3A_94 = arith.constant 0 : index
    %get3A_95 = arith.constant 0 : index
    %get3A_96 = vector.load %arg1[%get3A_93, %get3A_94, %get3A_95] : memref<9x256x128xf32, #tpu.memory_space<vmem>>, vector<1x256x128xf32>
    %get3A_97 = vector.shape_cast %get3A_96 : vector<1x256x128xf32> to vector<256x128xf32>
    %dot_general3A_98 = arith.constant dense<0.000000e+00> : vector<2816x128xf32>
    %dot_general3A_99 = tpu.matmul %reshape3A_92, %get3A_97, %dot_general3A_98 {dimension_numbers = #tpu.dot_dimension_numbers<[1], [0], [0], [1], [0, 0, 1, 1], [], []>, transpose_lhs_hint = false} : vector<2816x256xf32>, vector<256x128xf32>, vector<2816x128xf32> -> vector<2816x128xf32>
    %add3A_100 = arith.addf %add3A_87, %dot_general3A_99 : vector<2816x128xf32>
    %get3A_101 = arith.constant 2 : index
    %get3A_102 = arith.constant 2 : index
    %get3A_103 = arith.constant 0 : index
    %get3A_104 = vector.load %arg0[%get3A_101, %get3A_102, %get3A_103] : memref<34x90x256xf32, #tpu.memory_space<vmem>>, vector<32x88x256xf32>
    %reshape3A_105 = vector.shape_cast %get3A_104 : vector<32x88x256xf32> to vector<2816x256xf32>
    %get3A_106 = arith.constant 8 : index
    %get3A_107 = arith.constant 0 : index
    %get3A_108 = arith.constant 0 : index
    %get3A_109 = vector.load %arg1[%get3A_106, %get3A_107, %get3A_108] : memref<9x256x128xf32, #tpu.memory_space<vmem>>, vector<1x256x128xf32>
    %get3A_110 = vector.shape_cast %get3A_109 : vector<1x256x128xf32> to vector<256x128xf32>
    %dot_general3A_111 = arith.constant dense<0.000000e+00> : vector<2816x128xf32>
    %dot_general3A_112 = tpu.matmul %reshape3A_105, %get3A_110, %dot_general3A_111 {dimension_numbers = #tpu.dot_dimension_numbers<[1], [0], [0], [1], [0, 0, 1, 1], [], []>, transpose_lhs_hint = false} : vector<2816x256xf32>, vector<256x128xf32>, vector<2816x128xf32> -> vector<2816x128xf32>
    %add3A_113 = arith.addf %add3A_100, %dot_general3A_112 : vector<2816x128xf32>
    %get3A_114 = arith.constant 0 : index
    %get3A_115 = arith.constant 0 : index
    %get3A_116 = vector.load %arg2[%get3A_114, %get3A_115] : memref<1x128xf32, #tpu.memory_space<vmem>>, vector<1x128xf32>
    %get3A_117 = vector.shape_cast %get3A_116 : vector<1x128xf32> to vector<128xf32>
    %broadcast_in_dim3A_118 = vector.shape_cast %get3A_117 : vector<128xf32> to vector<1x128xf32>
    %add3A_119 = vector.broadcast %broadcast_in_dim3A_118 : vector<1x128xf32> to vector<2816x128xf32>
    %add3A_120 = arith.addf %add3A_113, %add3A_119 : vector<2816x128xf32>
    %reduce_sum3A = arith.constant dense<0.000000e+00> : vector<128xf32>
    %reduce_sum3A_121 = vector.multi_reduction <add>, %add3A_120, %reduce_sum3A [0] : vector<2816x128xf32> to vector<128xf32>
    %broadcast_in_dim3A_122 = vector.shape_cast %reduce_sum3A_121 : vector<128xf32> to vector<1x128xf32>
    %mul3A = arith.constant 3.55113647E-4 : f32
    %mul3A_123 = vector.broadcast %mul3A : f32 to vector<1x128xf32>
    %mul3A_124 = arith.mulf %broadcast_in_dim3A_122, %mul3A_123 : vector<1x128xf32>
    %sub3A = vector.broadcast %mul3A_124 : vector<1x128xf32> to vector<2816x128xf32>
    %sub3A_125 = arith.subf %add3A_120, %sub3A : vector<2816x128xf32>
    %integer_pow3A = arith.mulf %sub3A_125, %sub3A_125 : vector<2816x128xf32>
    %reduce_sum3A_126 = arith.constant dense<0.000000e+00> : vector<128xf32>
    %reduce_sum3A_127 = vector.multi_reduction <add>, %integer_pow3A, %reduce_sum3A_126 [0] : vector<2816x128xf32> to vector<128xf32>
    %broadcast_in_dim3A_128 = vector.shape_cast %reduce_sum3A_127 : vector<128xf32> to vector<1x128xf32>
    %mul3A_129 = arith.constant 3.55113647E-4 : f32
    %mul3A_130 = vector.broadcast %mul3A_129 : f32 to vector<1x128xf32>
    %mul3A_131 = arith.mulf %broadcast_in_dim3A_128, %mul3A_130 : vector<1x128xf32>
    %sub3A_132 = vector.broadcast %mul3A_124 : vector<1x128xf32> to vector<2816x128xf32>
    %sub3A_133 = arith.subf %add3A_120, %sub3A_132 : vector<2816x128xf32>
    %add3A_134 = arith.constant 9.99999974E-6 : f32
    %add3A_135 = vector.broadcast %add3A_134 : f32 to vector<1x128xf32>
    %add3A_136 = arith.addf %mul3A_131, %add3A_135 : vector<1x128xf32>
    %sqrt3A = math.sqrt %add3A_136 : vector<1x128xf32>
    %div3A = vector.broadcast %sqrt3A : vector<1x128xf32> to vector<2816x128xf32>
    %div3A_137 = arith.divf %sub3A_133, %div3A : vector<2816x128xf32>
    %get3A_138 = arith.constant 0 : index
    %get3A_139 = arith.constant 0 : index
    %get3A_140 = vector.load %arg3[%get3A_138, %get3A_139] : memref<1x128xf32, #tpu.memory_space<vmem>>, vector<1x128xf32>
    %get3A_141 = vector.shape_cast %get3A_140 : vector<1x128xf32> to vector<128xf32>
    %broadcast_in_dim3A_142 = vector.shape_cast %get3A_141 : vector<128xf32> to vector<1x128xf32>
    %mul3A_143 = vector.broadcast %broadcast_in_dim3A_142 : vector<1x128xf32> to vector<2816x128xf32>
    %mul3A_144 = arith.mulf %div3A_137, %mul3A_143 : vector<2816x128xf32>
    %get3A_145 = arith.constant 0 : index
    %get3A_146 = arith.constant 0 : index
    %get3A_147 = vector.load %arg4[%get3A_145, %get3A_146] : memref<1x128xf32, #tpu.memory_space<vmem>>, vector<1x128xf32>
    %get3A_148 = vector.shape_cast %get3A_147 : vector<1x128xf32> to vector<128xf32>
    %broadcast_in_dim3A_149 = vector.shape_cast %get3A_148 : vector<128xf32> to vector<1x128xf32>
    %add3A_150 = vector.broadcast %broadcast_in_dim3A_149 : vector<1x128xf32> to vector<2816x128xf32>
    %add3A_151 = arith.addf %mul3A_144, %add3A_150 : vector<2816x128xf32>
    %max3A = arith.constant 0.000000e+00 : f32
    %max3A_152 = vector.broadcast %max3A : f32 to vector<2816x128xf32>
    %max3A_153 = arith.maximumf %add3A_151, %max3A_152 : vector<2816x128xf32>
    %get3A_154 = arith.constant 0 : index
    %get3A_155 = arith.constant 0 : index
    %get3A_156 = vector.load %arg5[%get3A_154, %get3A_155] : memref<128x64xf32, #tpu.memory_space<vmem>>, vector<128x64xf32>
    %dot_general3A_157 = arith.constant dense<0.000000e+00> : vector<2816x64xf32>
    %dot_general3A_158 = tpu.matmul %max3A_153, %get3A_156, %dot_general3A_157 {dimension_numbers = #tpu.dot_dimension_numbers<[1], [0], [0], [1], [0, 0, 1, 1], [], []>, transpose_lhs_hint = false} : vector<2816x128xf32>, vector<128x64xf32>, vector<2816x64xf32> -> vector<2816x64xf32>
    %get3A_159 = arith.constant 0 : index
    %get3A_160 = arith.constant 0 : index
    %get3A_161 = vector.load %arg6[%get3A_159, %get3A_160] : memref<1x64xf32, #tpu.memory_space<vmem>>, vector<1x64xf32>
    %get3A_162 = vector.shape_cast %get3A_161 : vector<1x64xf32> to vector<64xf32>
    %broadcast_in_dim3A_163 = vector.shape_cast %get3A_162 : vector<64xf32> to vector<1x64xf32>
    %add3A_164 = vector.broadcast %broadcast_in_dim3A_163 : vector<1x64xf32> to vector<2816x64xf32>
    %add3A_165 = arith.addf %dot_general3A_158, %add3A_164 : vector<2816x64xf32>
    %reduce_max3A = arith.constant dense<0xFF800000> : vector<2816xf32>
    %reduce_max3A_166 = vector.multi_reduction <maximumf>, %add3A_165, %reduce_max3A [1] : vector<2816x64xf32> to vector<2816xf32>
    %broadcast_in_dim3A_167 = vector.shape_cast %reduce_max3A_166 : vector<2816xf32> to vector<2816x1xf32>
    %sub3A_168 = vector.broadcast %broadcast_in_dim3A_167 : vector<2816x1xf32> to vector<2816x64xf32>
    %sub3A_169 = arith.subf %add3A_165, %sub3A_168 : vector<2816x64xf32>
    %exp3A = math.exp %sub3A_169 : vector<2816x64xf32>
    %reduce_sum3A_170 = arith.constant dense<0.000000e+00> : vector<2816xf32>
    %reduce_sum3A_171 = vector.multi_reduction <add>, %exp3A, %reduce_sum3A_170 [1] : vector<2816x64xf32> to vector<2816xf32>
    %broadcast_in_dim3A_172 = vector.shape_cast %reduce_sum3A_171 : vector<2816xf32> to vector<2816x1xf32>
    %div3A_173 = vector.broadcast %broadcast_in_dim3A_172 : vector<2816x1xf32> to vector<2816x64xf32>
    %div3A_174 = arith.divf %exp3A, %div3A_173 : vector<2816x64xf32>
    %reshape3A_175 = vector.shape_cast %div3A_174 : vector<2816x64xf32> to vector<32x88x64xf32>
    %get3A_176 = arith.constant 0 : index
    %get3A_177 = arith.constant 0 : index
    %get3A_178 = vector.load %arg7[%get3A_176, %get3A_177] : memref<1x64xf32, #tpu.memory_space<vmem>>, vector<1x64xf32>
    %get3A_179 = vector.shape_cast %get3A_178 : vector<1x64xf32> to vector<64xf32>
    %broadcast_in_dim3A_180 = vector.shape_cast %get3A_179 : vector<64xf32> to vector<1x1x64xf32>
    %mul3A_181 = vector.broadcast %broadcast_in_dim3A_180 : vector<1x1x64xf32> to vector<32x88x64xf32>
    %mul3A_182 = arith.mulf %reshape3A_175, %mul3A_181 : vector<32x88x64xf32>
    %reduce_sum3A_183 = arith.constant dense<0.000000e+00> : vector<32x88xf32>
    %reduce_sum3A_184 = vector.multi_reduction <add>, %mul3A_182, %reduce_sum3A_183 [2] : vector<32x88x64xf32> to vector<32x88xf32>
    %swap3A = arith.constant 0 : index
    %swap3A_185 = arith.constant 0 : index
    %swap3A_186 = vector.load %arg13[%swap3A, %swap3A_185] : memref<32x88xf32, #tpu.memory_space<vmem>>, vector<32x88xf32>
    tpu.vector_store %arg13[%swap3A, %swap3A_185], %reduce_sum3A_184 {strides = array<i32>} : memref<32x88xf32, #tpu.memory_space<vmem>>, vector<32x88xf32>,
    %slice3A = vector.extract_strided_slice %reshape3A_175 {offsets = [0, 0, 0], sizes = [1, 88, 64], strides = [1, 1, 1]} : vector<32x88x64xf32> to vector<1x88x64xf32>
    %squeeze3A = vector.shape_cast %slice3A : vector<1x88x64xf32> to vector<88x64xf32>
    %transpose3A = tpu.transpose %squeeze3A, [1, 0] : vector<88x64xf32> -> vector<64x88xf32>
    %swap3A_187 = arith.constant 0 : index
    %swap3A_188 = arith.constant 0 : index
    %swap3A_189 = arith.constant 0 : index
    %swap3A_190 = vector.load %arg12[%swap3A_187, %swap3A_188, %swap3A_189] : memref<64x32x88xf32, #tpu.memory_space<vmem>>, vector<64x1x88xf32>
    %swap3A_191 = vector.shape_cast %swap3A_190 : vector<64x1x88xf32> to vector<64x88xf32>
    %swap3A_192 = vector.shape_cast %transpose3A : vector<64x88xf32> to vector<64x1x88xf32>
    tpu.vector_store %arg12[%swap3A_187, %swap3A_188, %swap3A_189], %swap3A_192 {strides = array<i32>} : memref<64x32x88xf32, #tpu.memory_space<vmem>>, vector<64x1x88xf32>,
    %slice3A_193 = vector.extract_strided_slice %reshape3A_175 {offsets = [1, 0, 0], sizes = [1, 88, 64], strides = [1, 1, 1]} : vector<32x88x64xf32> to vector<1x88x64xf32>
    %squeeze3A_194 = vector.shape_cast %slice3A_193 : vector<1x88x64xf32> to vector<88x64xf32>
    %transpose3A_195 = tpu.transpose %squeeze3A_194, [1, 0] : vector<88x64xf32> -> vector<64x88xf32>
    %swap3A_196 = arith.constant 0 : index
    %swap3A_197 = arith.constant 1 : index
    %swap3A_198 = arith.constant 0 : index
    %swap3A_199 = vector.load %arg12[%swap3A_196, %swap3A_197, %swap3A_198] : memref<64x32x88xf32, #tpu.memory_space<vmem>>, vector<64x1x88xf32>
    %swap3A_200 = vector.shape_cast %swap3A_199 : vector<64x1x88xf32> to vector<64x88xf32>
    %swap3A_201 = vector.shape_cast %transpose3A_195 : vector<64x88xf32> to vector<64x1x88xf32>
    tpu.vector_store %arg12[%swap3A_196, %swap3A_197, %swap3A_198], %swap3A_201 {strides = array<i32>} : memref<64x32x88xf32, #tpu.memory_space<vmem>>, vector<64x1x88xf32>,
    %slice3A_202 = vector.extract_strided_slice %reshape3A_175 {offsets = [2, 0, 0], sizes = [1, 88, 64], strides = [1, 1, 1]} : vector<32x88x64xf32> to vector<1x88x64xf32>
    %squeeze3A_203 = vector.shape_cast %slice3A_202 : vector<1x88x64xf32> to vector<88x64xf32>
    %transpose3A_204 = tpu.transpose %squeeze3A_203, [1, 0] : vector<88x64xf32> -> vector<64x88xf32>
    %swap3A_205 = arith.constant 0 : index
    %swap3A_206 = arith.constant 2 : index
    %swap3A_207 = arith.constant 0 : index
    %swap3A_208 = vector.load %arg12[%swap3A_205, %swap3A_206, %swap3A_207] : memref<64x32x88xf32, #tpu.memory_space<vmem>>, vector<64x1x88xf32>
    %swap3A_209 = vector.shape_cast %swap3A_208 : vector<64x1x88xf32> to vector<64x88xf32>
    %swap3A_210 = vector.shape_cast %transpose3A_204 : vector<64x88xf32> to vector<64x1x88xf32>
    tpu.vector_store %arg12[%swap3A_205, %swap3A_206, %swap3A_207], %swap3A_210 {strides = array<i32>} : memref<64x32x88xf32, #tpu.memory_space<vmem>>, vector<64x1x88xf32>,
    %slice3A_211 = vector.extract_strided_slice %reshape3A_175 {offsets = [3, 0, 0], sizes = [1, 88, 64], strides = [1, 1, 1]} : vector<32x88x64xf32> to vector<1x88x64xf32>
    %squeeze3A_212 = vector.shape_cast %slice3A_211 : vector<1x88x64xf32> to vector<88x64xf32>
    %transpose3A_213 = tpu.transpose %squeeze3A_212, [1, 0] : vector<88x64xf32> -> vector<64x88xf32>
    %swap3A_214 = arith.constant 0 : index
    %swap3A_215 = arith.constant 3 : index
    %swap3A_216 = arith.constant 0 : index
    %swap3A_217 = vector.load %arg12[%swap3A_214, %swap3A_215, %swap3A_216] : memref<64x32x88xf32, #tpu.memory_space<vmem>>, vector<64x1x88xf32>
    %swap3A_218 = vector.shape_cast %swap3A_217 : vector<64x1x88xf32> to vector<64x88xf32>
    %swap3A_219 = vector.shape_cast %transpose3A_213 : vector<64x88xf32> to vector<64x1x88xf32>
    tpu.vector_store %arg12[%swap3A_214, %swap3A_215, %swap3A_216], %swap3A_219 {strides = array<i32>} : memref<64x32x88xf32, #tpu.memory_space<vmem>>, vector<64x1x88xf32>,
    %slice3A_220 = vector.extract_strided_slice %reshape3A_175 {offsets = [4, 0, 0], sizes = [1, 88, 64], strides = [1, 1, 1]} : vector<32x88x64xf32> to vector<1x88x64xf32>
    %squeeze3A_221 = vector.shape_cast %slice3A_220 : vector<1x88x64xf32> to vector<88x64xf32>
    %transpose3A_222 = tpu.transpose %squeeze3A_221, [1, 0] : vector<88x64xf32> -> vector<64x88xf32>
    %swap3A_223 = arith.constant 0 : index
    %swap3A_224 = arith.constant 4 : index
    %swap3A_225 = arith.constant 0 : index
    %swap3A_226 = vector.load %arg12[%swap3A_223, %swap3A_224, %swap3A_225] : memref<64x32x88xf32, #tpu.memory_space<vmem>>, vector<64x1x88xf32>
    %swap3A_227 = vector.shape_cast %swap3A_226 : vector<64x1x88xf32> to vector<64x88xf32>
    %swap3A_228 = vector.shape_cast %transpose3A_222 : vector<64x88xf32> to vector<64x1x88xf32>
    tpu.vector_store %arg12[%swap3A_223, %swap3A_224, %swap3A_225], %swap3A_228 {strides = array<i32>} : memref<64x32x88xf32, #tpu.memory_space<vmem>>, vector<64x1x88xf32>,
    %slice3A_229 = vector.extract_strided_slice %reshape3A_175 {offsets = [5, 0, 0], sizes = [1, 88, 64], strides = [1, 1, 1]} : vector<32x88x64xf32> to vector<1x88x64xf32>
    %squeeze3A_230 = vector.shape_cast %slice3A_229 : vector<1x88x64xf32> to vector<88x64xf32>
    %transpose3A_231 = tpu.transpose %squeeze3A_230, [1, 0] : vector<88x64xf32> -> vector<64x88xf32>
    %swap3A_232 = arith.constant 0 : index
    %swap3A_233 = arith.constant 5 : index
    %swap3A_234 = arith.constant 0 : index
    %swap3A_235 = vector.load %arg12[%swap3A_232, %swap3A_233, %swap3A_234] : memref<64x32x88xf32, #tpu.memory_space<vmem>>, vector<64x1x88xf32>
    %swap3A_236 = vector.shape_cast %swap3A_235 : vector<64x1x88xf32> to vector<64x88xf32>
    %swap3A_237 = vector.shape_cast %transpose3A_231 : vector<64x88xf32> to vector<64x1x88xf32>
    tpu.vector_store %arg12[%swap3A_232, %swap3A_233, %swap3A_234], %swap3A_237 {strides = array<i32>} : memref<64x32x88xf32, #tpu.memory_space<vmem>>, vector<64x1x88xf32>,
    %slice3A_238 = vector.extract_strided_slice %reshape3A_175 {offsets = [6, 0, 0], sizes = [1, 88, 64], strides = [1, 1, 1]} : vector<32x88x64xf32> to vector<1x88x64xf32>
    %squeeze3A_239 = vector.shape_cast %slice3A_238 : vector<1x88x64xf32> to vector<88x64xf32>
    %transpose3A_240 = tpu.transpose %squeeze3A_239, [1, 0] : vector<88x64xf32> -> vector<64x88xf32>
    %swap3A_241 = arith.constant 0 : index
    %swap3A_242 = arith.constant 6 : index
    %swap3A_243 = arith.constant 0 : index
    %swap3A_244 = vector.load %arg12[%swap3A_241, %swap3A_242, %swap3A_243] : memref<64x32x88xf32, #tpu.memory_space<vmem>>, vector<64x1x88xf32>
    %swap3A_245 = vector.shape_cast %swap3A_244 : vector<64x1x88xf32> to vector<64x88xf32>
    %swap3A_246 = vector.shape_cast %transpose3A_240 : vector<64x88xf32> to vector<64x1x88xf32>
    tpu.vector_store %arg12[%swap3A_241, %swap3A_242, %swap3A_243], %swap3A_246 {strides = array<i32>} : memref<64x32x88xf32, #tpu.memory_space<vmem>>, vector<64x1x88xf32>,
    %slice3A_247 = vector.extract_strided_slice %reshape3A_175 {offsets = [7, 0, 0], sizes = [1, 88, 64], strides = [1, 1, 1]} : vector<32x88x64xf32> to vector<1x88x64xf32>
    %squeeze3A_248 = vector.shape_cast %slice3A_247 : vector<1x88x64xf32> to vector<88x64xf32>
    %transpose3A_249 = tpu.transpose %squeeze3A_248, [1, 0] : vector<88x64xf32> -> vector<64x88xf32>
    %swap3A_250 = arith.constant 0 : index
    %swap3A_251 = arith.constant 7 : index
    %swap3A_252 = arith.constant 0 : index
    %swap3A_253 = vector.load %arg12[%swap3A_250, %swap3A_251, %swap3A_252] : memref<64x32x88xf32, #tpu.memory_space<vmem>>, vector<64x1x88xf32>
    %swap3A_254 = vector.shape_cast %swap3A_253 : vector<64x1x88xf32> to vector<64x88xf32>
    %swap3A_255 = vector.shape_cast %transpose3A_249 : vector<64x88xf32> to vector<64x1x88xf32>
    tpu.vector_store %arg12[%swap3A_250, %swap3A_251, %swap3A_252], %swap3A_255 {strides = array<i32>} : memref<64x32x88xf32, #tpu.memory_space<vmem>>, vector<64x1x88xf32>,
    %slice3A_256 = vector.extract_strided_slice %reshape3A_175 {offsets = [8, 0, 0], sizes = [1, 88, 64], strides = [1, 1, 1]} : vector<32x88x64xf32> to vector<1x88x64xf32>
    %squeeze3A_257 = vector.shape_cast %slice3A_256 : vector<1x88x64xf32> to vector<88x64xf32>
    %transpose3A_258 = tpu.transpose %squeeze3A_257, [1, 0] : vector<88x64xf32> -> vector<64x88xf32>
    %swap3A_259 = arith.constant 0 : index
    %swap3A_260 = arith.constant 8 : index
    %swap3A_261 = arith.constant 0 : index
    %swap3A_262 = vector.load %arg12[%swap3A_259, %swap3A_260, %swap3A_261] : memref<64x32x88xf32, #tpu.memory_space<vmem>>, vector<64x1x88xf32>
    %swap3A_263 = vector.shape_cast %swap3A_262 : vector<64x1x88xf32> to vector<64x88xf32>
    %swap3A_264 = vector.shape_cast %transpose3A_258 : vector<64x88xf32> to vector<64x1x88xf32>
    tpu.vector_store %arg12[%swap3A_259, %swap3A_260, %swap3A_261], %swap3A_264 {strides = array<i32>} : memref<64x32x88xf32, #tpu.memory_space<vmem>>, vector<64x1x88xf32>,
    %slice3A_265 = vector.extract_strided_slice %reshape3A_175 {offsets = [9, 0, 0], sizes = [1, 88, 64], strides = [1, 1, 1]} : vector<32x88x64xf32> to vector<1x88x64xf32>
    %squeeze3A_266 = vector.shape_cast %slice3A_265 : vector<1x88x64xf32> to vector<88x64xf32>
    %transpose3A_267 = tpu.transpose %squeeze3A_266, [1, 0] : vector<88x64xf32> -> vector<64x88xf32>
    %swap3A_268 = arith.constant 0 : index
    %swap3A_269 = arith.constant 9 : index
    %swap3A_270 = arith.constant 0 : index
    %swap3A_271 = vector.load %arg12[%swap3A_268, %swap3A_269, %swap3A_270] : memref<64x32x88xf32, #tpu.memory_space<vmem>>, vector<64x1x88xf32>
    %swap3A_272 = vector.shape_cast %swap3A_271 : vector<64x1x88xf32> to vector<64x88xf32>
    %swap3A_273 = vector.shape_cast %transpose3A_267 : vector<64x88xf32> to vector<64x1x88xf32>
    tpu.vector_store %arg12[%swap3A_268, %swap3A_269, %swap3A_270], %swap3A_273 {strides = array<i32>} : memref<64x32x88xf32, #tpu.memory_space<vmem>>, vector<64x1x88xf32>,
    %slice3A_274 = vector.extract_strided_slice %reshape3A_175 {offsets = [10, 0, 0], sizes = [1, 88, 64], strides = [1, 1, 1]} : vector<32x88x64xf32> to vector<1x88x64xf32>
    %squeeze3A_275 = vector.shape_cast %slice3A_274 : vector<1x88x64xf32> to vector<88x64xf32>
    %transpose3A_276 = tpu.transpose %squeeze3A_275, [1, 0] : vector<88x64xf32> -> vector<64x88xf32>
    %swap3A_277 = arith.constant 0 : index
    %swap3A_278 = arith.constant 10 : index
    %swap3A_279 = arith.constant 0 : index
    %swap3A_280 = vector.load %arg12[%swap3A_277, %swap3A_278, %swap3A_279] : memref<64x32x88xf32, #tpu.memory_space<vmem>>, vector<64x1x88xf32>
    %swap3A_281 = vector.shape_cast %swap3A_280 : vector<64x1x88xf32> to vector<64x88xf32>
    %swap3A_282 = vector.shape_cast %transpose3A_276 : vector<64x88xf32> to vector<64x1x88xf32>
    tpu.vector_store %arg12[%swap3A_277, %swap3A_278, %swap3A_279], %swap3A_282 {strides = array<i32>} : memref<64x32x88xf32, #tpu.memory_space<vmem>>, vector<64x1x88xf32>,
    %slice3A_283 = vector.extract_strided_slice %reshape3A_175 {offsets = [11, 0, 0], sizes = [1, 88, 64], strides = [1, 1, 1]} : vector<32x88x64xf32> to vector<1x88x64xf32>
    %squeeze3A_284 = vector.shape_cast %slice3A_283 : vector<1x88x64xf32> to vector<88x64xf32>
    %transpose3A_285 = tpu.transpose %squeeze3A_284, [1, 0] : vector<88x64xf32> -> vector<64x88xf32>
    %swap3A_286 = arith.constant 0 : index
    %swap3A_287 = arith.constant 11 : index
    %swap3A_288 = arith.constant 0 : index
    %swap3A_289 = vector.load %arg12[%swap3A_286, %swap3A_287, %swap3A_288] : memref<64x32x88xf32, #tpu.memory_space<vmem>>, vector<64x1x88xf32>
    %swap3A_290 = vector.shape_cast %swap3A_289 : vector<64x1x88xf32> to vector<64x88xf32>
    %swap3A_291 = vector.shape_cast %transpose3A_285 : vector<64x88xf32> to vector<64x1x88xf32>
    tpu.vector_store %arg12[%swap3A_286, %swap3A_287, %swap3A_288], %swap3A_291 {strides = array<i32>} : memref<64x32x88xf32, #tpu.memory_space<vmem>>, vector<64x1x88xf32>,
    %slice3A_292 = vector.extract_strided_slice %reshape3A_175 {offsets = [12, 0, 0], sizes = [1, 88, 64], strides = [1, 1, 1]} : vector<32x88x64xf32> to vector<1x88x64xf32>
    %squeeze3A_293 = vector.shape_cast %slice3A_292 : vector<1x88x64xf32> to vector<88x64xf32>
    %transpose3A_294 = tpu.transpose %squeeze3A_293, [1, 0] : vector<88x64xf32> -> vector<64x88xf32>
    %swap3A_295 = arith.constant 0 : index
    %swap3A_296 = arith.constant 12 : index
    %swap3A_297 = arith.constant 0 : index
    %swap3A_298 = vector.load %arg12[%swap3A_295, %swap3A_296, %swap3A_297] : memref<64x32x88xf32, #tpu.memory_space<vmem>>, vector<64x1x88xf32>
    %swap3A_299 = vector.shape_cast %swap3A_298 : vector<64x1x88xf32> to vector<64x88xf32>
    %swap3A_300 = vector.shape_cast %transpose3A_294 : vector<64x88xf32> to vector<64x1x88xf32>
    tpu.vector_store %arg12[%swap3A_295, %swap3A_296, %swap3A_297], %swap3A_300 {strides = array<i32>} : memref<64x32x88xf32, #tpu.memory_space<vmem>>, vector<64x1x88xf32>,
    %slice3A_301 = vector.extract_strided_slice %reshape3A_175 {offsets = [13, 0, 0], sizes = [1, 88, 64], strides = [1, 1, 1]} : vector<32x88x64xf32> to vector<1x88x64xf32>
    %squeeze3A_302 = vector.shape_cast %slice3A_301 : vector<1x88x64xf32> to vector<88x64xf32>
    %transpose3A_303 = tpu.transpose %squeeze3A_302, [1, 0] : vector<88x64xf32> -> vector<64x88xf32>
    %swap3A_304 = arith.constant 0 : index
    %swap3A_305 = arith.constant 13 : index
    %swap3A_306 = arith.constant 0 : index
    %swap3A_307 = vector.load %arg12[%swap3A_304, %swap3A_305, %swap3A_306] : memref<64x32x88xf32, #tpu.memory_space<vmem>>, vector<64x1x88xf32>
    %swap3A_308 = vector.shape_cast %swap3A_307 : vector<64x1x88xf32> to vector<64x88xf32>
    %swap3A_309 = vector.shape_cast %transpose3A_303 : vector<64x88xf32> to vector<64x1x88xf32>
    tpu.vector_store %arg12[%swap3A_304, %swap3A_305, %swap3A_306], %swap3A_309 {strides = array<i32>} : memref<64x32x88xf32, #tpu.memory_space<vmem>>, vector<64x1x88xf32>,
    %slice3A_310 = vector.extract_strided_slice %reshape3A_175 {offsets = [14, 0, 0], sizes = [1, 88, 64], strides = [1, 1, 1]} : vector<32x88x64xf32> to vector<1x88x64xf32>
    %squeeze3A_311 = vector.shape_cast %slice3A_310 : vector<1x88x64xf32> to vector<88x64xf32>
    %transpose3A_312 = tpu.transpose %squeeze3A_311, [1, 0] : vector<88x64xf32> -> vector<64x88xf32>
    %swap3A_313 = arith.constant 0 : index
    %swap3A_314 = arith.constant 14 : index
    %swap3A_315 = arith.constant 0 : index
    %swap3A_316 = vector.load %arg12[%swap3A_313, %swap3A_314, %swap3A_315] : memref<64x32x88xf32, #tpu.memory_space<vmem>>, vector<64x1x88xf32>
    %swap3A_317 = vector.shape_cast %swap3A_316 : vector<64x1x88xf32> to vector<64x88xf32>
    %swap3A_318 = vector.shape_cast %transpose3A_312 : vector<64x88xf32> to vector<64x1x88xf32>
    tpu.vector_store %arg12[%swap3A_313, %swap3A_314, %swap3A_315], %swap3A_318 {strides = array<i32>} : memref<64x32x88xf32, #tpu.memory_space<vmem>>, vector<64x1x88xf32>,
    %slice3A_319 = vector.extract_strided_slice %reshape3A_175 {offsets = [15, 0, 0], sizes = [1, 88, 64], strides = [1, 1, 1]} : vector<32x88x64xf32> to vector<1x88x64xf32>
    %squeeze3A_320 = vector.shape_cast %slice3A_319 : vector<1x88x64xf32> to vector<88x64xf32>
    %transpose3A_321 = tpu.transpose %squeeze3A_320, [1, 0] : vector<88x64xf32> -> vector<64x88xf32>
    %swap3A_322 = arith.constant 0 : index
    %swap3A_323 = arith.constant 15 : index
    %swap3A_324 = arith.constant 0 : index
    %swap3A_325 = vector.load %arg12[%swap3A_322, %swap3A_323, %swap3A_324] : memref<64x32x88xf32, #tpu.memory_space<vmem>>, vector<64x1x88xf32>
    %swap3A_326 = vector.shape_cast %swap3A_325 : vector<64x1x88xf32> to vector<64x88xf32>
    %swap3A_327 = vector.shape_cast %transpose3A_321 : vector<64x88xf32> to vector<64x1x88xf32>
    tpu.vector_store %arg12[%swap3A_322, %swap3A_323, %swap3A_324], %swap3A_327 {strides = array<i32>} : memref<64x32x88xf32, #tpu.memory_space<vmem>>, vector<64x1x88xf32>,
    %slice3A_328 = vector.extract_strided_slice %reshape3A_175 {offsets = [16, 0, 0], sizes = [1, 88, 64], strides = [1, 1, 1]} : vector<32x88x64xf32> to vector<1x88x64xf32>
    %squeeze3A_329 = vector.shape_cast %slice3A_328 : vector<1x88x64xf32> to vector<88x64xf32>
    %transpose3A_330 = tpu.transpose %squeeze3A_329, [1, 0] : vector<88x64xf32> -> vector<64x88xf32>
    %swap3A_331 = arith.constant 0 : index
    %swap3A_332 = arith.constant 16 : index
    %swap3A_333 = arith.constant 0 : index
    %swap3A_334 = vector.load %arg12[%swap3A_331, %swap3A_332, %swap3A_333] : memref<64x32x88xf32, #tpu.memory_space<vmem>>, vector<64x1x88xf32>
    %swap3A_335 = vector.shape_cast %swap3A_334 : vector<64x1x88xf32> to vector<64x88xf32>
    %swap3A_336 = vector.shape_cast %transpose3A_330 : vector<64x88xf32> to vector<64x1x88xf32>
    tpu.vector_store %arg12[%swap3A_331, %swap3A_332, %swap3A_333], %swap3A_336 {strides = array<i32>} : memref<64x32x88xf32, #tpu.memory_space<vmem>>, vector<64x1x88xf32>,
    %slice3A_337 = vector.extract_strided_slice %reshape3A_175 {offsets = [17, 0, 0], sizes = [1, 88, 64], strides = [1, 1, 1]} : vector<32x88x64xf32> to vector<1x88x64xf32>
    %squeeze3A_338 = vector.shape_cast %slice3A_337 : vector<1x88x64xf32> to vector<88x64xf32>
    %transpose3A_339 = tpu.transpose %squeeze3A_338, [1, 0] : vector<88x64xf32> -> vector<64x88xf32>
    %swap3A_340 = arith.constant 0 : index
    %swap3A_341 = arith.constant 17 : index
    %swap3A_342 = arith.constant 0 : index
    %swap3A_343 = vector.load %arg12[%swap3A_340, %swap3A_341, %swap3A_342] : memref<64x32x88xf32, #tpu.memory_space<vmem>>, vector<64x1x88xf32>
    %swap3A_344 = vector.shape_cast %swap3A_343 : vector<64x1x88xf32> to vector<64x88xf32>
    %swap3A_345 = vector.shape_cast %transpose3A_339 : vector<64x88xf32> to vector<64x1x88xf32>
    tpu.vector_store %arg12[%swap3A_340, %swap3A_341, %swap3A_342], %swap3A_345 {strides = array<i32>} : memref<64x32x88xf32, #tpu.memory_space<vmem>>, vector<64x1x88xf32>,
    %slice3A_346 = vector.extract_strided_slice %reshape3A_175 {offsets = [18, 0, 0], sizes = [1, 88, 64], strides = [1, 1, 1]} : vector<32x88x64xf32> to vector<1x88x64xf32>
    %squeeze3A_347 = vector.shape_cast %slice3A_346 : vector<1x88x64xf32> to vector<88x64xf32>
    %transpose3A_348 = tpu.transpose %squeeze3A_347, [1, 0] : vector<88x64xf32> -> vector<64x88xf32>
    %swap3A_349 = arith.constant 0 : index
    %swap3A_350 = arith.constant 18 : index
    %swap3A_351 = arith.constant 0 : index
    %swap3A_352 = vector.load %arg12[%swap3A_349, %swap3A_350, %swap3A_351] : memref<64x32x88xf32, #tpu.memory_space<vmem>>, vector<64x1x88xf32>
    %swap3A_353 = vector.shape_cast %swap3A_352 : vector<64x1x88xf32> to vector<64x88xf32>
    %swap3A_354 = vector.shape_cast %transpose3A_348 : vector<64x88xf32> to vector<64x1x88xf32>
    tpu.vector_store %arg12[%swap3A_349, %swap3A_350, %swap3A_351], %swap3A_354 {strides = array<i32>} : memref<64x32x88xf32, #tpu.memory_space<vmem>>, vector<64x1x88xf32>,
    %slice3A_355 = vector.extract_strided_slice %reshape3A_175 {offsets = [19, 0, 0], sizes = [1, 88, 64], strides = [1, 1, 1]} : vector<32x88x64xf32> to vector<1x88x64xf32>
    %squeeze3A_356 = vector.shape_cast %slice3A_355 : vector<1x88x64xf32> to vector<88x64xf32>
    %transpose3A_357 = tpu.transpose %squeeze3A_356, [1, 0] : vector<88x64xf32> -> vector<64x88xf32>
    %swap3A_358 = arith.constant 0 : index
    %swap3A_359 = arith.constant 19 : index
    %swap3A_360 = arith.constant 0 : index
    %swap3A_361 = vector.load %arg12[%swap3A_358, %swap3A_359, %swap3A_360] : memref<64x32x88xf32, #tpu.memory_space<vmem>>, vector<64x1x88xf32>
    %swap3A_362 = vector.shape_cast %swap3A_361 : vector<64x1x88xf32> to vector<64x88xf32>
    %swap3A_363 = vector.shape_cast %transpose3A_357 : vector<64x88xf32> to vector<64x1x88xf32>
    tpu.vector_store %arg12[%swap3A_358, %swap3A_359, %swap3A_360], %swap3A_363 {strides = array<i32>} : memref<64x32x88xf32, #tpu.memory_space<vmem>>, vector<64x1x88xf32>,
    %slice3A_364 = vector.extract_strided_slice %reshape3A_175 {offsets = [20, 0, 0], sizes = [1, 88, 64], strides = [1, 1, 1]} : vector<32x88x64xf32> to vector<1x88x64xf32>
    %squeeze3A_365 = vector.shape_cast %slice3A_364 : vector<1x88x64xf32> to vector<88x64xf32>
    %transpose3A_366 = tpu.transpose %squeeze3A_365, [1, 0] : vector<88x64xf32> -> vector<64x88xf32>
    %swap3A_367 = arith.constant 0 : index
    %swap3A_368 = arith.constant 20 : index
    %swap3A_369 = arith.constant 0 : index
    %swap3A_370 = vector.load %arg12[%swap3A_367, %swap3A_368, %swap3A_369] : memref<64x32x88xf32, #tpu.memory_space<vmem>>, vector<64x1x88xf32>
    %swap3A_371 = vector.shape_cast %swap3A_370 : vector<64x1x88xf32> to vector<64x88xf32>
    %swap3A_372 = vector.shape_cast %transpose3A_366 : vector<64x88xf32> to vector<64x1x88xf32>
    tpu.vector_store %arg12[%swap3A_367, %swap3A_368, %swap3A_369], %swap3A_372 {strides = array<i32>} : memref<64x32x88xf32, #tpu.memory_space<vmem>>, vector<64x1x88xf32>,
    %slice3A_373 = vector.extract_strided_slice %reshape3A_175 {offsets = [21, 0, 0], sizes = [1, 88, 64], strides = [1, 1, 1]} : vector<32x88x64xf32> to vector<1x88x64xf32>
    %squeeze3A_374 = vector.shape_cast %slice3A_373 : vector<1x88x64xf32> to vector<88x64xf32>
    %transpose3A_375 = tpu.transpose %squeeze3A_374, [1, 0] : vector<88x64xf32> -> vector<64x88xf32>
    %swap3A_376 = arith.constant 0 : index
    %swap3A_377 = arith.constant 21 : index
    %swap3A_378 = arith.constant 0 : index
    %swap3A_379 = vector.load %arg12[%swap3A_376, %swap3A_377, %swap3A_378] : memref<64x32x88xf32, #tpu.memory_space<vmem>>, vector<64x1x88xf32>
    %swap3A_380 = vector.shape_cast %swap3A_379 : vector<64x1x88xf32> to vector<64x88xf32>
    %swap3A_381 = vector.shape_cast %transpose3A_375 : vector<64x88xf32> to vector<64x1x88xf32>
    tpu.vector_store %arg12[%swap3A_376, %swap3A_377, %swap3A_378], %swap3A_381 {strides = array<i32>} : memref<64x32x88xf32, #tpu.memory_space<vmem>>, vector<64x1x88xf32>,
    %slice3A_382 = vector.extract_strided_slice %reshape3A_175 {offsets = [22, 0, 0], sizes = [1, 88, 64], strides = [1, 1, 1]} : vector<32x88x64xf32> to vector<1x88x64xf32>
    %squeeze3A_383 = vector.shape_cast %slice3A_382 : vector<1x88x64xf32> to vector<88x64xf32>
    %transpose3A_384 = tpu.transpose %squeeze3A_383, [1, 0] : vector<88x64xf32> -> vector<64x88xf32>
    %swap3A_385 = arith.constant 0 : index
    %swap3A_386 = arith.constant 22 : index
    %swap3A_387 = arith.constant 0 : index
    %swap3A_388 = vector.load %arg12[%swap3A_385, %swap3A_386, %swap3A_387] : memref<64x32x88xf32, #tpu.memory_space<vmem>>, vector<64x1x88xf32>
    %swap3A_389 = vector.shape_cast %swap3A_388 : vector<64x1x88xf32> to vector<64x88xf32>
    %swap3A_390 = vector.shape_cast %transpose3A_384 : vector<64x88xf32> to vector<64x1x88xf32>
    tpu.vector_store %arg12[%swap3A_385, %swap3A_386, %swap3A_387], %swap3A_390 {strides = array<i32>} : memref<64x32x88xf32, #tpu.memory_space<vmem>>, vector<64x1x88xf32>,
    %slice3A_391 = vector.extract_strided_slice %reshape3A_175 {offsets = [23, 0, 0], sizes = [1, 88, 64], strides = [1, 1, 1]} : vector<32x88x64xf32> to vector<1x88x64xf32>
    %squeeze3A_392 = vector.shape_cast %slice3A_391 : vector<1x88x64xf32> to vector<88x64xf32>
    %transpose3A_393 = tpu.transpose %squeeze3A_392, [1, 0] : vector<88x64xf32> -> vector<64x88xf32>
    %swap3A_394 = arith.constant 0 : index
    %swap3A_395 = arith.constant 23 : index
    %swap3A_396 = arith.constant 0 : index
    %swap3A_397 = vector.load %arg12[%swap3A_394, %swap3A_395, %swap3A_396] : memref<64x32x88xf32, #tpu.memory_space<vmem>>, vector<64x1x88xf32>
    %swap3A_398 = vector.shape_cast %swap3A_397 : vector<64x1x88xf32> to vector<64x88xf32>
    %swap3A_399 = vector.shape_cast %transpose3A_393 : vector<64x88xf32> to vector<64x1x88xf32>
    tpu.vector_store %arg12[%swap3A_394, %swap3A_395, %swap3A_396], %swap3A_399 {strides = array<i32>} : memref<64x32x88xf32, #tpu.memory_space<vmem>>, vector<64x1x88xf32>,
    %slice3A_400 = vector.extract_strided_slice %reshape3A_175 {offsets = [24, 0, 0], sizes = [1, 88, 64], strides = [1, 1, 1]} : vector<32x88x64xf32> to vector<1x88x64xf32>
    %squeeze3A_401 = vector.shape_cast %slice3A_400 : vector<1x88x64xf32> to vector<88x64xf32>
    %transpose3A_402 = tpu.transpose %squeeze3A_401, [1, 0] : vector<88x64xf32> -> vector<64x88xf32>
    %swap3A_403 = arith.constant 0 : index
    %swap3A_404 = arith.constant 24 : index
    %swap3A_405 = arith.constant 0 : index
    %swap3A_406 = vector.load %arg12[%swap3A_403, %swap3A_404, %swap3A_405] : memref<64x32x88xf32, #tpu.memory_space<vmem>>, vector<64x1x88xf32>
    %swap3A_407 = vector.shape_cast %swap3A_406 : vector<64x1x88xf32> to vector<64x88xf32>
    %swap3A_408 = vector.shape_cast %transpose3A_402 : vector<64x88xf32> to vector<64x1x88xf32>
    tpu.vector_store %arg12[%swap3A_403, %swap3A_404, %swap3A_405], %swap3A_408 {strides = array<i32>} : memref<64x32x88xf32, #tpu.memory_space<vmem>>, vector<64x1x88xf32>,
    %slice3A_409 = vector.extract_strided_slice %reshape3A_175 {offsets = [25, 0, 0], sizes = [1, 88, 64], strides = [1, 1, 1]} : vector<32x88x64xf32> to vector<1x88x64xf32>
    %squeeze3A_410 = vector.shape_cast %slice3A_409 : vector<1x88x64xf32> to vector<88x64xf32>
    %transpose3A_411 = tpu.transpose %squeeze3A_410, [1, 0] : vector<88x64xf32> -> vector<64x88xf32>
    %swap3A_412 = arith.constant 0 : index
    %swap3A_413 = arith.constant 25 : index
    %swap3A_414 = arith.constant 0 : index
    %swap3A_415 = vector.load %arg12[%swap3A_412, %swap3A_413, %swap3A_414] : memref<64x32x88xf32, #tpu.memory_space<vmem>>, vector<64x1x88xf32>
    %swap3A_416 = vector.shape_cast %swap3A_415 : vector<64x1x88xf32> to vector<64x88xf32>
    %swap3A_417 = vector.shape_cast %transpose3A_411 : vector<64x88xf32> to vector<64x1x88xf32>
    tpu.vector_store %arg12[%swap3A_412, %swap3A_413, %swap3A_414], %swap3A_417 {strides = array<i32>} : memref<64x32x88xf32, #tpu.memory_space<vmem>>, vector<64x1x88xf32>,
    %slice3A_418 = vector.extract_strided_slice %reshape3A_175 {offsets = [26, 0, 0], sizes = [1, 88, 64], strides = [1, 1, 1]} : vector<32x88x64xf32> to vector<1x88x64xf32>
    %squeeze3A_419 = vector.shape_cast %slice3A_418 : vector<1x88x64xf32> to vector<88x64xf32>
    %transpose3A_420 = tpu.transpose %squeeze3A_419, [1, 0] : vector<88x64xf32> -> vector<64x88xf32>
    %swap3A_421 = arith.constant 0 : index
    %swap3A_422 = arith.constant 26 : index
    %swap3A_423 = arith.constant 0 : index
    %swap3A_424 = vector.load %arg12[%swap3A_421, %swap3A_422, %swap3A_423] : memref<64x32x88xf32, #tpu.memory_space<vmem>>, vector<64x1x88xf32>
    %swap3A_425 = vector.shape_cast %swap3A_424 : vector<64x1x88xf32> to vector<64x88xf32>
    %swap3A_426 = vector.shape_cast %transpose3A_420 : vector<64x88xf32> to vector<64x1x88xf32>
    tpu.vector_store %arg12[%swap3A_421, %swap3A_422, %swap3A_423], %swap3A_426 {strides = array<i32>} : memref<64x32x88xf32, #tpu.memory_space<vmem>>, vector<64x1x88xf32>,
    %slice3A_427 = vector.extract_strided_slice %reshape3A_175 {offsets = [27, 0, 0], sizes = [1, 88, 64], strides = [1, 1, 1]} : vector<32x88x64xf32> to vector<1x88x64xf32>
    %squeeze3A_428 = vector.shape_cast %slice3A_427 : vector<1x88x64xf32> to vector<88x64xf32>
    %transpose3A_429 = tpu.transpose %squeeze3A_428, [1, 0] : vector<88x64xf32> -> vector<64x88xf32>
    %swap3A_430 = arith.constant 0 : index
    %swap3A_431 = arith.constant 27 : index
    %swap3A_432 = arith.constant 0 : index
    %swap3A_433 = vector.load %arg12[%swap3A_430, %swap3A_431, %swap3A_432] : memref<64x32x88xf32, #tpu.memory_space<vmem>>, vector<64x1x88xf32>
    %swap3A_434 = vector.shape_cast %swap3A_433 : vector<64x1x88xf32> to vector<64x88xf32>
    %swap3A_435 = vector.shape_cast %transpose3A_429 : vector<64x88xf32> to vector<64x1x88xf32>
    tpu.vector_store %arg12[%swap3A_430, %swap3A_431, %swap3A_432], %swap3A_435 {strides = array<i32>} : memref<64x32x88xf32, #tpu.memory_space<vmem>>, vector<64x1x88xf32>,
    %slice3A_436 = vector.extract_strided_slice %reshape3A_175 {offsets = [28, 0, 0], sizes = [1, 88, 64], strides = [1, 1, 1]} : vector<32x88x64xf32> to vector<1x88x64xf32>
    %squeeze3A_437 = vector.shape_cast %slice3A_436 : vector<1x88x64xf32> to vector<88x64xf32>
    %transpose3A_438 = tpu.transpose %squeeze3A_437, [1, 0] : vector<88x64xf32> -> vector<64x88xf32>
    %swap3A_439 = arith.constant 0 : index
    %swap3A_440 = arith.constant 28 : index
    %swap3A_441 = arith.constant 0 : index
    %swap3A_442 = vector.load %arg12[%swap3A_439, %swap3A_440, %swap3A_441] : memref<64x32x88xf32, #tpu.memory_space<vmem>>, vector<64x1x88xf32>
    %swap3A_443 = vector.shape_cast %swap3A_442 : vector<64x1x88xf32> to vector<64x88xf32>
    %swap3A_444 = vector.shape_cast %transpose3A_438 : vector<64x88xf32> to vector<64x1x88xf32>
    tpu.vector_store %arg12[%swap3A_439, %swap3A_440, %swap3A_441], %swap3A_444 {strides = array<i32>} : memref<64x32x88xf32, #tpu.memory_space<vmem>>, vector<64x1x88xf32>,
    %slice3A_445 = vector.extract_strided_slice %reshape3A_175 {offsets = [29, 0, 0], sizes = [1, 88, 64], strides = [1, 1, 1]} : vector<32x88x64xf32> to vector<1x88x64xf32>
    %squeeze3A_446 = vector.shape_cast %slice3A_445 : vector<1x88x64xf32> to vector<88x64xf32>
    %transpose3A_447 = tpu.transpose %squeeze3A_446, [1, 0] : vector<88x64xf32> -> vector<64x88xf32>
    %swap3A_448 = arith.constant 0 : index
    %swap3A_449 = arith.constant 29 : index
    %swap3A_450 = arith.constant 0 : index
    %swap3A_451 = vector.load %arg12[%swap3A_448, %swap3A_449, %swap3A_450] : memref<64x32x88xf32, #tpu.memory_space<vmem>>, vector<64x1x88xf32>
    %swap3A_452 = vector.shape_cast %swap3A_451 : vector<64x1x88xf32> to vector<64x88xf32>
    %swap3A_453 = vector.shape_cast %transpose3A_447 : vector<64x88xf32> to vector<64x1x88xf32>
    tpu.vector_store %arg12[%swap3A_448, %swap3A_449, %swap3A_450], %swap3A_453 {strides = array<i32>} : memref<64x32x88xf32, #tpu.memory_space<vmem>>, vector<64x1x88xf32>,
    %slice3A_454 = vector.extract_strided_slice %reshape3A_175 {offsets = [30, 0, 0], sizes = [1, 88, 64], strides = [1, 1, 1]} : vector<32x88x64xf32> to vector<1x88x64xf32>
    %squeeze3A_455 = vector.shape_cast %slice3A_454 : vector<1x88x64xf32> to vector<88x64xf32>
    %transpose3A_456 = tpu.transpose %squeeze3A_455, [1, 0] : vector<88x64xf32> -> vector<64x88xf32>
    %swap3A_457 = arith.constant 0 : index
    %swap3A_458 = arith.constant 30 : index
    %swap3A_459 = arith.constant 0 : index
    %swap3A_460 = vector.load %arg12[%swap3A_457, %swap3A_458, %swap3A_459] : memref<64x32x88xf32, #tpu.memory_space<vmem>>, vector<64x1x88xf32>
    %swap3A_461 = vector.shape_cast %swap3A_460 : vector<64x1x88xf32> to vector<64x88xf32>
    %swap3A_462 = vector.shape_cast %transpose3A_456 : vector<64x88xf32> to vector<64x1x88xf32>
    tpu.vector_store %arg12[%swap3A_457, %swap3A_458, %swap3A_459], %swap3A_462 {strides = array<i32>} : memref<64x32x88xf32, #tpu.memory_space<vmem>>, vector<64x1x88xf32>,
    %slice3A_463 = vector.extract_strided_slice %reshape3A_175 {offsets = [31, 0, 0], sizes = [1, 88, 64], strides = [1, 1, 1]} : vector<32x88x64xf32> to vector<1x88x64xf32>
    %squeeze3A_464 = vector.shape_cast %slice3A_463 : vector<1x88x64xf32> to vector<88x64xf32>
    %transpose3A_465 = tpu.transpose %squeeze3A_464, [1, 0] : vector<88x64xf32> -> vector<64x88xf32>
    %swap3A_466 = arith.constant 0 : index
    %swap3A_467 = arith.constant 31 : index
    %swap3A_468 = arith.constant 0 : index
    %swap3A_469 = vector.load %arg12[%swap3A_466, %swap3A_467, %swap3A_468] : memref<64x32x88xf32, #tpu.memory_space<vmem>>, vector<64x1x88xf32>
    %swap3A_470 = vector.shape_cast %swap3A_469 : vector<64x1x88xf32> to vector<64x88xf32>
    %swap3A_471 = vector.shape_cast %transpose3A_465 : vector<64x88xf32> to vector<64x1x88xf32>
    tpu.vector_store %arg12[%swap3A_466, %swap3A_467, %swap3A_468], %swap3A_471 {strides = array<i32>} : memref<64x32x88xf32, #tpu.memory_space<vmem>>, vector<64x1x88xf32>,
    %reduce_sum3A_472 = vector.shape_cast %div3A_174 : vector<2816x64xf32> to vector<1x2816x64xf32>
    %reduce_sum3A_473 = arith.constant dense<0.000000e+00> : vector<1xf32>
    %reduce_sum3A_474 = vector.multi_reduction <add>, %reduce_sum3A_472, %reduce_sum3A_473 [1, 2] : vector<1x2816x64xf32> to vector<1xf32>
    %reduce_sum3A_475 = vector.shape_cast %reduce_sum3A_474 : vector<1xf32> to vector<1x1x1xf32>
    %reduce_sum3A_476 = vector.extract %reduce_sum3A_475[0, 0, 0] : f32 from vector<1x1x1xf32>
    %mul3A_477 = arith.constant 5.54865073E-6 : f32
    %mul3A_478 = arith.mulf %reduce_sum3A_476, %mul3A_477 : f32
    %get3A_479 = arith.constant 0 : index
    %get3A_480 = vector.load %arg10[%get3A_479] : memref<1000000xf32, #tpu.memory_space<vmem>>, vector<1000000xf32>
    %get3A_481 = arith.constant 0 : index
    %get3A_482 = vector.load %arg11[%get3A_481] : memref<1000000xf32, #tpu.memory_space<vmem>>, vector<1000000xf32>
    %get3A_483 = arith.constant 0 : index
    %get3A_484 = arith.constant 0 : index
    %get3A_485 = vector.load %arg8[%get3A_483, %get3A_484] : memref<1x9xf32, #tpu.memory_space<vmem>>, vector<1x1xf32>
    %get3A_486 = vector.extract %get3A_485[0, 0] : f32 from vector<1x1xf32>
    %mul3A_487 = vector.broadcast %get3A_486 : f32 to vector<1000000xf32>
    %mul3A_488 = arith.mulf %get3A_480, %mul3A_487 : vector<1000000xf32>
    %get3A_489 = arith.constant 0 : index
    %get3A_490 = arith.constant 1 : index
    %get3A_491 = vector.load %arg8[%get3A_489, %get3A_490] : memref<1x9xf32, #tpu.memory_space<vmem>>, vector<1x1xf32>
    %get3A_492 = vector.extract %get3A_491[0, 0] : f32 from vector<1x1xf32>
    %mul3A_493 = vector.broadcast %get3A_492 : f32 to vector<1000000xf32>
    %mul3A_494 = arith.mulf %get3A_482, %mul3A_493 : vector<1000000xf32>
    %add3A_495 = arith.addf %mul3A_488, %mul3A_494 : vector<1000000xf32>
    %get3A_496 = arith.constant 0 : index
    %get3A_497 = arith.constant 2 : index
    %get3A_498 = vector.load %arg8[%get3A_496, %get3A_497] : memref<1x9xf32, #tpu.memory_space<vmem>>, vector<1x1xf32>
    %get3A_499 = vector.extract %get3A_498[0, 0] : f32 from vector<1x1xf32>
    %add3A_500 = vector.broadcast %get3A_499 : f32 to vector<1000000xf32>
    %add3A_501 = arith.addf %add3A_495, %add3A_500 : vector<1000000xf32>
    %mul3A_502 = vector.broadcast %mul3A_478 : f32 to vector<1000000xf32>
    %mul3A_503 = arith.mulf %add3A_501, %mul3A_502 : vector<1000000xf32>
    %swap3A_504 = arith.constant 0 : index
    %swap3A_505 = vector.load %arg14[%swap3A_504] : memref<1000000xf32, #tpu.memory_space<vmem>>, vector<1000000xf32>
    tpu.vector_store %arg14[%swap3A_504], %mul3A_503 {strides = array<i32>} : memref<1000000xf32, #tpu.memory_space<vmem>>, vector<1000000xf32>,
    %get3A_506 = arith.constant 0 : index
    %get3A_507 = arith.constant 3 : index
    %get3A_508 = vector.load %arg8[%get3A_506, %get3A_507] : memref<1x9xf32, #tpu.memory_space<vmem>>, vector<1x1xf32>
    %get3A_509 = vector.extract %get3A_508[0, 0] : f32 from vector<1x1xf32>
    %mul3A_510 = vector.broadcast %get3A_509 : f32 to vector<1000000xf32>
    %mul3A_511 = arith.mulf %get3A_480, %mul3A_510 : vector<1000000xf32>
    %get3A_512 = arith.constant 0 : index
    %get3A_513 = arith.constant 4 : index
    %get3A_514 = vector.load %arg8[%get3A_512, %get3A_513] : memref<1x9xf32, #tpu.memory_space<vmem>>, vector<1x1xf32>
    %get3A_515 = vector.extract %get3A_514[0, 0] : f32 from vector<1x1xf32>
    %mul3A_516 = vector.broadcast %get3A_515 : f32 to vector<1000000xf32>
    %mul3A_517 = arith.mulf %get3A_482, %mul3A_516 : vector<1000000xf32>
    %add3A_518 = arith.addf %mul3A_511, %mul3A_517 : vector<1000000xf32>
    %get3A_519 = arith.constant 0 : index
    %get3A_520 = arith.constant 5 : index
    %get3A_521 = vector.load %arg8[%get3A_519, %get3A_520] : memref<1x9xf32, #tpu.memory_space<vmem>>, vector<1x1xf32>
    %get3A_522 = vector.extract %get3A_521[0, 0] : f32 from vector<1x1xf32>
    %add3A_523 = vector.broadcast %get3A_522 : f32 to vector<1000000xf32>
    %add3A_524 = arith.addf %add3A_518, %add3A_523 : vector<1000000xf32>
    %mul3A_525 = vector.broadcast %mul3A_478 : f32 to vector<1000000xf32>
    %mul3A_526 = arith.mulf %add3A_524, %mul3A_525 : vector<1000000xf32>
    %swap3A_527 = arith.constant 0 : index
    %swap3A_528 = vector.load %arg15[%swap3A_527] : memref<1000000xf32, #tpu.memory_space<vmem>>, vector<1000000xf32>
    tpu.vector_store %arg15[%swap3A_527], %mul3A_526 {strides = array<i32>} : memref<1000000xf32, #tpu.memory_space<vmem>>, vector<1000000xf32>,
    %get3A_529 = arith.constant 0 : index
    %get3A_530 = arith.constant 6 : index
    %get3A_531 = vector.load %arg8[%get3A_529, %get3A_530] : memref<1x9xf32, #tpu.memory_space<vmem>>, vector<1x1xf32>
    %get3A_532 = vector.extract %get3A_531[0, 0] : f32 from vector<1x1xf32>
    %mul3A_533 = vector.broadcast %get3A_532 : f32 to vector<1000000xf32>
    %mul3A_534 = arith.mulf %get3A_480, %mul3A_533 : vector<1000000xf32>
    %get3A_535 = arith.constant 0 : index
    %get3A_536 = arith.constant 7 : index
    %get3A_537 = vector.load %arg8[%get3A_535, %get3A_536] : memref<1x9xf32, #tpu.memory_space<vmem>>, vector<1x1xf32>
    %get3A_538 = vector.extract %get3A_537[0, 0] : f32 from vector<1x1xf32>
    %mul3A_539 = vector.broadcast %get3A_538 : f32 to vector<1000000xf32>
    %mul3A_540 = arith.mulf %get3A_482, %mul3A_539 : vector<1000000xf32>
    %add3A_541 = arith.addf %mul3A_534, %mul3A_540 : vector<1000000xf32>
    %get3A_542 = arith.constant 0 : index
    %get3A_543 = arith.constant 8 : index
    %get3A_544 = vector.load %arg8[%get3A_542, %get3A_543] : memref<1x9xf32, #tpu.memory_space<vmem>>, vector<1x1xf32>
    %get3A_545 = vector.extract %get3A_544[0, 0] : f32 from vector<1x1xf32>
    %add3A_546 = vector.broadcast %get3A_545 : f32 to vector<1000000xf32>
    %add3A_547 = arith.addf %add3A_541, %add3A_546 : vector<1000000xf32>
    %mul3A_548 = vector.broadcast %mul3A_478 : f32 to vector<1000000xf32>
    %mul3A_549 = arith.mulf %add3A_547, %mul3A_548 : vector<1000000xf32>
    %swap3A_550 = arith.constant 0 : index
    %swap3A_551 = vector.load %arg16[%swap3A_550] : memref<1000000xf32, #tpu.memory_space<vmem>>, vector<1000000xf32>
    tpu.vector_store %arg16[%swap3A_550], %mul3A_549 {strides = array<i32>} : memref<1000000xf32, #tpu.memory_space<vmem>>, vector<1000000xf32>,
    %get3A_552 = arith.constant 0 : index
    %get3A_553 = arith.constant 0 : index
    %get3A_554 = vector.load %arg9[%get3A_552, %get3A_553] : memref<1x4xf32, #tpu.memory_space<vmem>>, vector<1x1xf32>
    %get3A_555 = vector.extract %get3A_554[0, 0] : f32 from vector<1x1xf32>
    %get3A_556 = arith.constant 0 : index
    %get3A_557 = arith.constant 1 : index
    %get3A_558 = vector.load %arg9[%get3A_556, %get3A_557] : memref<1x4xf32, #tpu.memory_space<vmem>>, vector<1x1xf32>
    %get3A_559 = vector.extract %get3A_558[0, 0] : f32 from vector<1x1xf32>
    %get3A_560 = arith.constant 0 : index
    %get3A_561 = arith.constant 2 : index
    %get3A_562 = vector.load %arg9[%get3A_560, %get3A_561] : memref<1x4xf32, #tpu.memory_space<vmem>>, vector<1x1xf32>
    %get3A_563 = vector.extract %get3A_562[0, 0] : f32 from vector<1x1xf32>
    %get3A_564 = arith.constant 0 : index
    %get3A_565 = arith.constant 3 : index
    %get3A_566 = vector.load %arg9[%get3A_564, %get3A_565] : memref<1x4xf32, #tpu.memory_space<vmem>>, vector<1x1xf32>
    %get3A_567 = vector.extract %get3A_566[0, 0] : f32 from vector<1x1xf32>
    %get3A_568 = arith.constant 0 : index
    %get3A_569 = arith.constant 0 : index
    %get3A_570 = vector.load %arg8[%get3A_568, %get3A_569] : memref<1x9xf32, #tpu.memory_space<vmem>>, vector<1x1xf32>
    %get3A_571 = vector.extract %get3A_570[0, 0] : f32 from vector<1x1xf32>
    %mul3A_572 = arith.mulf %get3A_555, %get3A_571 : f32
    %get3A_573 = arith.constant 0 : index
    %get3A_574 = arith.constant 1 : index
    %get3A_575 = vector.load %arg8[%get3A_573, %get3A_574] : memref<1x9xf32, #tpu.memory_space<vmem>>, vector<1x1xf32>
    %get3A_576 = vector.extract %get3A_575[0, 0] : f32 from vector<1x1xf32>
    %mul3A_577 = arith.mulf %get3A_559, %get3A_576 : f32
    %add3A_578 = arith.addf %mul3A_572, %mul3A_577 : f32
    %get3A_579 = arith.constant 0 : index
    %get3A_580 = arith.constant 2 : index
    %get3A_581 = vector.load %arg8[%get3A_579, %get3A_580] : memref<1x9xf32, #tpu.memory_space<vmem>>, vector<1x1xf32>
    %get3A_582 = vector.extract %get3A_581[0, 0] : f32 from vector<1x1xf32>
    %add3A_583 = arith.addf %add3A_578, %get3A_582 : f32
    %mul3A_584 = arith.mulf %add3A_583, %mul3A_478 : f32
    %get3A_585 = arith.constant 0 : index
    %get3A_586 = arith.constant 0 : index
    %get3A_587 = vector.load %arg8[%get3A_585, %get3A_586] : memref<1x9xf32, #tpu.memory_space<vmem>>, vector<1x1xf32>
    %get3A_588 = vector.extract %get3A_587[0, 0] : f32 from vector<1x1xf32>
    %mul3A_589 = arith.mulf %get3A_563, %get3A_588 : f32
    %get3A_590 = arith.constant 0 : index
    %get3A_591 = arith.constant 1 : index
    %get3A_592 = vector.load %arg8[%get3A_590, %get3A_591] : memref<1x9xf32, #tpu.memory_space<vmem>>, vector<1x1xf32>
    %get3A_593 = vector.extract %get3A_592[0, 0] : f32 from vector<1x1xf32>
    %mul3A_594 = arith.mulf %get3A_567, %get3A_593 : f32
    %add3A_595 = arith.addf %mul3A_589, %mul3A_594 : f32
    %get3A_596 = arith.constant 0 : index
    %get3A_597 = arith.constant 2 : index
    %get3A_598 = vector.load %arg8[%get3A_596, %get3A_597] : memref<1x9xf32, #tpu.memory_space<vmem>>, vector<1x1xf32>
    %get3A_599 = vector.extract %get3A_598[0, 0] : f32 from vector<1x1xf32>
    %add3A_600 = arith.addf %add3A_595, %get3A_599 : f32
    %mul3A_601 = arith.mulf %add3A_600, %mul3A_478 : f32
    %sub3A_602 = arith.constant -5.000000e+01 : f32
    %sub3A_603 = arith.subf %mul3A_584, %sub3A_602 : f32
    %div3A_604 = arith.constant 5.000000e-01 : f32
    %div3A_605 = arith.divf %sub3A_603, %div3A_604 : f32
    %convert_element_type3A = arith.fptosi %div3A_605 : f32 to i32
    %jit3A = arith.constant 0 : i32
    %jit3A_606 = arith.constant 199 : i32
    %max3A_607 = arith.maxsi %jit3A, %convert_element_type3A : i32
    %min3A = arith.minsi %jit3A_606, %max3A_607 : i32
    %sub3A_608 = arith.constant -5.000000e+01 : f32
    %sub3A_609 = arith.subf %mul3A_601, %sub3A_608 : f32
    %div3A_610 = arith.constant 5.000000e-01 : f32
    %div3A_611 = arith.divf %sub3A_609, %div3A_610 : f32
    %convert_element_type3A_612 = arith.fptosi %div3A_611 : f32 to i32
    %jit3A_613 = arith.constant 0 : i32
    %jit3A_614 = arith.constant 199 : i32
    %max3A_615 = arith.maxsi %jit3A_613, %convert_element_type3A_612 : i32
    %min3A_616 = arith.minsi %jit3A_614, %max3A_615 : i32
    %mul3A_617 = arith.constant 200 : i32
    %mul3A_618 = arith.muli %min3A_616, %mul3A_617 : i32
    %add3A_619 = arith.addi %mul3A_618, %min3A : i32
    %get3A_620 = arith.constant 0 : index
    %get3A_621 = arith.constant 3 : index
    %get3A_622 = vector.load %arg8[%get3A_620, %get3A_621] : memref<1x9xf32, #tpu.memory_space<vmem>>, vector<1x1xf32>
    %get3A_623 = vector.extract %get3A_622[0, 0] : f32 from vector<1x1xf32>
    %mul3A_624 = arith.mulf %get3A_555, %get3A_623 : f32
    %get3A_625 = arith.constant 0 : index
    %get3A_626 = arith.constant 4 : index
    %get3A_627 = vector.load %arg8[%get3A_625, %get3A_626] : memref<1x9xf32, #tpu.memory_space<vmem>>, vector<1x1xf32>
    %get3A_628 = vector.extract %get3A_627[0, 0] : f32 from vector<1x1xf32>
    %mul3A_629 = arith.mulf %get3A_559, %get3A_628 : f32
    %add3A_630 = arith.addf %mul3A_624, %mul3A_629 : f32
    %get3A_631 = arith.constant 0 : index
    %get3A_632 = arith.constant 5 : index
    %get3A_633 = vector.load %arg8[%get3A_631, %get3A_632] : memref<1x9xf32, #tpu.memory_space<vmem>>, vector<1x1xf32>
    %get3A_634 = vector.extract %get3A_633[0, 0] : f32 from vector<1x1xf32>
    %add3A_635 = arith.addf %add3A_630, %get3A_634 : f32
    %mul3A_636 = arith.mulf %add3A_635, %mul3A_478 : f32
    %get3A_637 = arith.constant 0 : index
    %get3A_638 = arith.constant 3 : index
    %get3A_639 = vector.load %arg8[%get3A_637, %get3A_638] : memref<1x9xf32, #tpu.memory_space<vmem>>, vector<1x1xf32>
    %get3A_640 = vector.extract %get3A_639[0, 0] : f32 from vector<1x1xf32>
    %mul3A_641 = arith.mulf %get3A_563, %get3A_640 : f32
    %get3A_642 = arith.constant 0 : index
    %get3A_643 = arith.constant 4 : index
    %get3A_644 = vector.load %arg8[%get3A_642, %get3A_643] : memref<1x9xf32, #tpu.memory_space<vmem>>, vector<1x1xf32>
    %get3A_645 = vector.extract %get3A_644[0, 0] : f32 from vector<1x1xf32>
    %mul3A_646 = arith.mulf %get3A_567, %get3A_645 : f32
    %add3A_647 = arith.addf %mul3A_641, %mul3A_646 : f32
    %get3A_648 = arith.constant 0 : index
    %get3A_649 = arith.constant 5 : index
    %get3A_650 = vector.load %arg8[%get3A_648, %get3A_649] : memref<1x9xf32, #tpu.memory_space<vmem>>, vector<1x1xf32>
    %get3A_651 = vector.extract %get3A_650[0, 0] : f32 from vector<1x1xf32>
    %add3A_652 = arith.addf %add3A_647, %get3A_651 : f32
    %mul3A_653 = arith.mulf %add3A_652, %mul3A_478 : f32
    %sub3A_654 = arith.constant -5.000000e+01 : f32
    %sub3A_655 = arith.subf %mul3A_636, %sub3A_654 : f32
    %div3A_656 = arith.constant 5.000000e-01 : f32
    %div3A_657 = arith.divf %sub3A_655, %div3A_656 : f32
    %convert_element_type3A_658 = arith.fptosi %div3A_657 : f32 to i32
    %jit3A_659 = arith.constant 0 : i32
    %jit3A_660 = arith.constant 199 : i32
    %max3A_661 = arith.maxsi %jit3A_659, %convert_element_type3A_658 : i32
    %min3A_662 = arith.minsi %jit3A_660, %max3A_661 : i32
    %sub3A_663 = arith.constant -5.000000e+01 : f32
    %sub3A_664 = arith.subf %mul3A_653, %sub3A_663 : f32
    %div3A_665 = arith.constant 5.000000e-01 : f32
    %div3A_666 = arith.divf %sub3A_664, %div3A_665 : f32
    %convert_element_type3A_667 = arith.fptosi %div3A_666 : f32 to i32
    %jit3A_668 = arith.constant 0 : i32
    %jit3A_669 = arith.constant 199 : i32
    %max3A_670 = arith.maxsi %jit3A_668, %convert_element_type3A_667 : i32
    %min3A_671 = arith.minsi %jit3A_669, %max3A_670 : i32
    %mul3A_672 = arith.constant 200 : i32
    %mul3A_673 = arith.muli %min3A_671, %mul3A_672 : i32
    %add3A_674 = arith.addi %mul3A_673, %min3A_662 : i32
    %get3A_675 = arith.constant 0 : index
    %get3A_676 = arith.constant 6 : index
    %get3A_677 = vector.load %arg8[%get3A_675, %get3A_676] : memref<1x9xf32, #tpu.memory_space<vmem>>, vector<1x1xf32>
    %get3A_678 = vector.extract %get3A_677[0, 0] : f32 from vector<1x1xf32>
    %mul3A_679 = arith.mulf %get3A_555, %get3A_678 : f32
    %get3A_680 = arith.constant 0 : index
    %get3A_681 = arith.constant 7 : index
    %get3A_682 = vector.load %arg8[%get3A_680, %get3A_681] : memref<1x9xf32, #tpu.memory_space<vmem>>, vector<1x1xf32>
    %get3A_683 = vector.extract %get3A_682[0, 0] : f32 from vector<1x1xf32>
    %mul3A_684 = arith.mulf %get3A_559, %get3A_683 : f32
    %add3A_685 = arith.addf %mul3A_679, %mul3A_684 : f32
    %get3A_686 = arith.constant 0 : index
    %get3A_687 = arith.constant 8 : index
    %get3A_688 = vector.load %arg8[%get3A_686, %get3A_687] : memref<1x9xf32, #tpu.memory_space<vmem>>, vector<1x1xf32>
    %get3A_689 = vector.extract %get3A_688[0, 0] : f32 from vector<1x1xf32>
    %add3A_690 = arith.addf %add3A_685, %get3A_689 : f32
    %mul3A_691 = arith.mulf %add3A_690, %mul3A_478 : f32
    %get3A_692 = arith.constant 0 : index
    %get3A_693 = arith.constant 6 : index
    %get3A_694 = vector.load %arg8[%get3A_692, %get3A_693] : memref<1x9xf32, #tpu.memory_space<vmem>>, vector<1x1xf32>
    %get3A_695 = vector.extract %get3A_694[0, 0] : f32 from vector<1x1xf32>
    %mul3A_696 = arith.mulf %get3A_563, %get3A_695 : f32
    %get3A_697 = arith.constant 0 : index
    %get3A_698 = arith.constant 7 : index
    %get3A_699 = vector.load %arg8[%get3A_697, %get3A_698] : memref<1x9xf32, #tpu.memory_space<vmem>>, vector<1x1xf32>
    %get3A_700 = vector.extract %get3A_699[0, 0] : f32 from vector<1x1xf32>
    %mul3A_701 = arith.mulf %get3A_567, %get3A_700 : f32
    %add3A_702 = arith.addf %mul3A_696, %mul3A_701 : f32
    %get3A_703 = arith.constant 0 : index
    %get3A_704 = arith.constant 8 : index
    %get3A_705 = vector.load %arg8[%get3A_703, %get3A_704] : memref<1x9xf32, #tpu.memory_space<vmem>>, vector<1x1xf32>
    %get3A_706 = vector.extract %get3A_705[0, 0] : f32 from vector<1x1xf32>
    %add3A_707 = arith.addf %add3A_702, %get3A_706 : f32
    %mul3A_708 = arith.mulf %add3A_707, %mul3A_478 : f32
    %sub3A_709 = arith.constant -5.000000e+01 : f32
    %sub3A_710 = arith.subf %mul3A_691, %sub3A_709 : f32
    %div3A_711 = arith.constant 5.000000e-01 : f32
    %div3A_712 = arith.divf %sub3A_710, %div3A_711 : f32
    %convert_element_type3A_713 = arith.fptosi %div3A_712 : f32 to i32
    %jit3A_714 = arith.constant 0 : i32
    %jit3A_715 = arith.constant 199 : i32
    %max3A_716 = arith.maxsi %jit3A_714, %convert_element_type3A_713 : i32
    %min3A_717 = arith.minsi %jit3A_715, %max3A_716 : i32
    %sub3A_718 = arith.constant -5.000000e+01 : f32
    %sub3A_719 = arith.subf %mul3A_708, %sub3A_718 : f32
    %div3A_720 = arith.constant 5.000000e-01 : f32
    %div3A_721 = arith.divf %sub3A_719, %div3A_720 : f32
    %convert_element_type3A_722 = arith.fptosi %div3A_721 : f32 to i32
    %jit3A_723 = arith.constant 0 : i32
    %jit3A_724 = arith.constant 199 : i32
    %max3A_725 = arith.maxsi %jit3A_723, %convert_element_type3A_722 : i32
    %min3A_726 = arith.minsi %jit3A_724, %max3A_725 : i32
    %mul3A_727 = arith.constant 200 : i32
    %mul3A_728 = arith.muli %min3A_726, %mul3A_727 : i32
    %add3A_729 = arith.addi %mul3A_728, %min3A_717 : i32
    %iota3A = tpu.iota {dimensions = array<i32: 1>} : vector<1x48xi32>
    %lt3A = arith.constant 16 : i32
    %lt3A_730 = vector.broadcast %lt3A : i32 to vector<1x48xi32>
    %lt3A_731 = arith.cmpi slt, %iota3A, %lt3A_730 : vector<1x48xi32>
    %lt3A_732 = arith.constant 32 : i32
    %lt3A_733 = vector.broadcast %lt3A_732 : i32 to vector<1x48xi32>
    %lt3A_734 = arith.cmpi slt, %iota3A, %lt3A_733 : vector<1x48xi32>
    %broadcast_in_dim3A_735 = vector.broadcast %add3A_674 : i32 to vector<1x48xi32>
    %broadcast_in_dim3A_736 = vector.broadcast %add3A_729 : i32 to vector<1x48xi32>
    %select_n3A = arith.select %lt3A_734, %broadcast_in_dim3A_735, %broadcast_in_dim3A_736 : vector<1x48xi1>, vector<1x48xi32>
    %broadcast_in_dim3A_737 = vector.broadcast %add3A_619 : i32 to vector<1x48xi32>
    %select_n3A_738 = arith.select %lt3A_731, %broadcast_in_dim3A_737, %select_n3A : vector<1x48xi1>, vector<1x48xi32>
    %swap3A_739 = arith.constant 0 : index
    %swap3A_740 = arith.constant 0 : index
    %swap3A_741 = vector.load %arg17[%swap3A_739, %swap3A_740] : memref<1x48xi32, #tpu.memory_space<vmem>>, vector<1x48xi32>
    tpu.vector_store %arg17[%swap3A_739, %swap3A_740], %select_n3A_738 {strides = array<i32>} : memref<1x48xi32, #tpu.memory_space<vmem>>, vector<1x48xi32>,
    return
  }
}

</mosaic_0001>

<sc_bundles>
// kernel: kernel.4.cloned.1.call-start
scs
__scs_entry_jumppad:
0x0: {  	(pc) =	sbr.rel $0x88, $3  }
0x1: {  	(tag) =	ssettag $0x0;
	lr =	simm.s32 $0x1  }
0x2: {  	[smem:$0x3F97] =	sst lr;
	_ =	strace $0xD0000000  }
0x3: {  	_ = 	snop  }
0x4: {  	_ = 	snop  }
0x5: {  	_ = 	snop  }
0x6: {  	_ = 	snop  }
0x7: {  	_ = 	snop  }
__scs_overlays_trampoline_lowered:
0x8: {  	[smem:$0x3FA6] =	sst s0  }
0x9: {  	[smem:$0x3FA7] =	sst s1  }
0xa: {  	[smem:$0x3FA8] =	sst s2  }
0xb: {  	[smem:$0x3FA9] =	sst s3  }
0xc: {  	[smem:$0x3FAA] =	sst s4  }
0xd: {  	[smem:$0x3FAB] =	sst s5  }
0xe: {  	[smem:$0x3FAC] =	sst s6  }
0xf: {  	[smem:$0x3FAD] =	sst s7  }
0x10: {  	[smem:$0x3FAE] =	sst s8  }
0x11: {  	[smem:$0x3FAF] =	sst s9;
	s0 =	simm.s32 @!p0 $0x0  }
0x12: {  	s1 =	sld [smem:$0x3F95];
	s0 =	simm.s32 @p0 $0x1  }
0x13: {  	[smem:$0x3FB0] =	sst s0;
	s0 =	simm.s32 @!p1 $0x0  }
0x14: {  	s2 =	sld [smem:$0x3F94];
	s0 =	simm.s32 @p1 $0x1  }
0x15: {  	[smem:$0x3FB1] =	sst s0;
	s0 =	simm.s32 @!p2 $0x0  }
0x16: {  	s3 =	sld [smem:$0x3FDB];
	s0 =	simm.s32 @p2 $0x1  }
0x17: {  	s4 =	simm.s32 $0x1BF5;
	[smem:$0x3FB3] =	sst s0  }
0x18: {  	s0 =	sld [smem:$0x3F96];
	_ =	swait.ge [sflag:s4], $0x0  }
0x19: {  	s7 =	sld [smem:$0x3F97]  }
0x1a: {  	s8 =	sadd.s32 $0xFFFFE003, lr  }
0x1b: {  	s9 =	sadd.s32 $0xFFFFFEF7, lr;
	s5 =	simm.s32 $0xFFFFFFFF;
	p2 =	slt.u32 s8, $0xFFFFF086  }
0x1c: {  	p1 =	slt.u32 s9, $0xF7A;
	s5 =	simm.s32 @!p2 $0x0  }
0x1d: {  	s5 =	simm.s32 @p1 $0x1;
	p0 =	seq.s32 s7, s2  }
0x1e: {  	s7 =	smul.u32 @!p0 $0xF7A, s2;
	p2 =	seq.s32 @!p0 s5, $0x0  }
0x1f: {  	s9 =	smul.u32 $0xF7A, s1;
	s8 =	simm.s32 @!p0 $0x1BF5;
	p2 =	por !p2, p0  }
0x20: {  	[sflag:s8] =	ssyncset.s32 @!p0 $0xFFFFF086;
	s6 =	sadd.s32 @!p0 s3, s7;
	s7 =	simm.s32 @!p0 $0x108  }
0x21: {  	s3 =	sadd.s32 s3, s9;
	s6 =	sadd.s32 @!p0 $0x88, s6;
	s7 =	simm.s32 @p2 $0x1082  }
0x22: {  	[simem:s7], [sflag:s8] =	dma.local @!p0 [hbm:s6], $0xF7A  }
0x23: {  	s9 =	sor.u32 $0xD0000000, s2;
	s6 =	simm.s32 $0x108;
	_ =	swait.ge @!p0 [sflag:s8], $0x0  }
0x24: {  	s3 =	sadd.s32 $0x88, s3;
	s6 =	simm.s32 @!p1 $0x1082;
	[sflag:s4] =	ssyncset.s32 $0xFFFFF086  }
0x25: {  	[simem:s6], [sflag:s4] =	dma.local [hbm:s3], $0xF7A  }
0x26: {  	[smem:$0x3F97] =	sst s1;
	(tag) =	ssettag s2;
	_ =	strace s9  }
0x27: {  	s1 =	sld [smem:$0x3FA7]  }
0x28: {  	s2 =	sld [smem:$0x3FA8]  }
0x29: {  	s4 =	sld [smem:$0x3FAA]  }
0x2a: {  	p0 =	seq.s32 s5, $0x0;
	s5 =	sld [smem:$0x3FAB]  }
0x2b: {  	s6 =	sld [smem:$0x3FAC]  }
0x2c: {  	s7 =	sld [smem:$0x3FAD]  }
0x2d: {  	s3 =	simm.s32 $0x108;
	s8 =	sld [smem:$0x3FAE]  }
0x2e: {  	s3 =	simm.s32 @!p0 $0x1082;
	s9 =	sld [smem:$0x3FAF]  }
0x2f: {  	lr =	sadd.s32 s0, s3;
	s0 =	sld [smem:$0x3FA6]  }
0x30: {  	s3 =	sld [smem:$0x3FA9]  }
0x31: {  	[smem:$0x3FB2] =	sst s10  }
0x32: {  	s10 =	sld [smem:$0x3FB0];
	_ =	sdelay $0x3  }
0x33: {  	p0 =	seq.s32 s10, $0x1;
	s10 =	sld [smem:$0x3FB2];
	_ =	sdelay $0x3  }
0x34: {  	[smem:$0x3FB2] =	sst s10  }
0x35: {  	s10 =	sld [smem:$0x3FB1];
	_ =	sdelay $0x3  }
0x36: {  	p1 =	seq.s32 s10, $0x1;
	s10 =	sld [smem:$0x3FB2];
	_ =	sdelay $0x3  }
0x37: {  	[smem:$0x3FB2] =	sst s10  }
0x38: {  	s10 =	sld [smem:$0x3FB3]  }
0x39: {  	_ = 	snop;
	(pc) =	sbr.ind lr, $3  }
0x3a: {  	_ = 	snop  }
0x3b: {  	_ = 	snop  }
0x3c: {  	p2 =	seq.s32 s10, $0x1;
	s10 =	sld [smem:$0x3FB2]  }
0x3d: {  	_ =	shalt  }
0x3e: {  	_ =	shalt  }
0x3f: {  	_ =	shalt  }
0x40: {  	_ =	shalt  }
0x41: {  	_ =	shalt  }
0x42: {  	_ =	shalt  }
0x43: {  	_ =	shalt  }
0x44: {  	_ =	shalt  }
0x45: {  	_ =	shalt  }
0x46: {  	_ =	shalt  }
0x47: {  	_ =	shalt  }
0x48: {  	_ =	shalt  }
0x49: {  	_ =	shalt  }
0x4a: {  	_ =	shalt  }
0x4b: {  	_ =	shalt  }
0x4c: {  	_ =	shalt  }
0x4d: {  	_ =	shalt  }
0x4e: {  	_ =	shalt  }
0x4f: {  	_ =	shalt  }
0x50: {  	_ =	shalt  }
0x51: {  	_ =	shalt  }
0x52: {  	_ =	shalt  }
0x53: {  	_ =	shalt  }
0x54: {  	_ =	shalt  }
0x55: {  	_ =	shalt  }
0x56: {  	_ =	shalt  }
0x57: {  	_ =	shalt  }
0x58: {  	_ =	shalt  }
0x59: {  	_ =	shalt  }
0x5a: {  	_ =	shalt  }
0x5b: {  	_ =	shalt  }
0x5c: {  	_ =	shalt  }
0x5d: {  	_ =	shalt  }
0x5e: {  	_ =	shalt  }
0x5f: {  	_ =	shalt  }
0x60: {  	_ =	shalt  }
0x61: {  	_ =	shalt  }
0x62: {  	_ =	shalt  }
0x63: {  	_ =	shalt  }
0x64: {  	_ =	shalt  }
0x65: {  	_ =	shalt  }
0x66: {  	_ =	shalt  }
0x67: {  	_ =	shalt  }
0x68: {  	_ =	shalt  }
0x69: {  	_ =	shalt  }
0x6a: {  	_ =	shalt  }
0x6b: {  	_ =	shalt  }
0x6c: {  	_ =	shalt  }
0x6d: {  	_ =	shalt  }
0x6e: {  	_ =	shalt  }
0x6f: {  	_ =	shalt  }
0x70: {  	_ =	shalt  }
0x71: {  	_ =	shalt  }
0x72: {  	_ =	shalt  }
0x73: {  	_ =	shalt  }
0x74: {  	_ =	shalt  }
0x75: {  	_ =	shalt  }
0x76: {  	_ =	shalt  }
0x77: {  	_ =	shalt  }
0x78: {  	_ =	shalt  }
0x79: {  	_ =	shalt  }
0x7a: {  	_ =	shalt  }
0x7b: {  	_ =	shalt  }
0x7c: {  	_ =	shalt  }
0x7d: {  	_ =	shalt  }
0x7e: {  	_ =	shalt  }
0x7f: {  	_ =	shalt  }
0x80: {  	_ =	shalt  }
0x81: {  	_ =	shalt  }
0x82: {  	_ =	shalt  }
0x83: {  	_ =	shalt  }
0x84: {  	_ =	shalt  }
0x85: {  	_ =	shalt  }
0x86: {  	_ =	shalt  }
0x87: {  	_ =	shalt  }
.Lfunc_end0:
.L_simem_size_0:
called_computation_lowered:
.L_overlay_start_0:
0x88: {  	s2 =	sld [smem:$0x3FD9]  }
0x89: {  	s3 =	sld [smem:$0x3FFE];
	_ =	sdelay $0x1  }
0x8a: {  	s1 =	srdreg.scid  }
0x8b: {  	s0 =	sand.u32 $0x1, s1  }
0x8c: {  	s14 =	sshll.u32 s0, $0xA;
	s2 =	sadd.s32 s3, s2  }
0x8d: {  	s2 =	sadd.s32 s2, s14  }
0x8e: {  	[smem:$0x3FBE] =	sst s2  }
0x8f: {  	_ = 	snop  }
0x90: {  	s2 =	sld [smem:$0x3FD0];
	_ =	sdelay $0x2  }
0x91: {  	s15 =	simm.s32 $0xA;
	s4 =	simm.s32 $0x10  }
0x92: {  	[smem:s4], [sflag:s15] =	dma.local [hbm:s2], $0x1  }
0x93: {  	_ =	swait.eq [sflag:s15], $0x1  }
0x94: {  	[sflag:s15] =	ssyncset.done $0x0  }
0x95: {  	[sflag:s15] =	ssyncadd.s32 $0xFFFFFFFF  }
0x96: {  	s16 =	sld [smem:$0x10];
	(tm) =	ssettm $0x1  }
0x97: {  	s17 =	sld [smem:$0x3FFB];
	_ =	sdelay $0x3  }
0x98: {  	_ =	strace s17  }
0x99: {  	s3 =	sld [smem:$0x3FFC];
	_ =	sdelay $0x3  }
0x9a: {  	_ =	strace s3  }
0x9b: {  	s3 =	sld [smem:$0x3FFD];
	_ =	sdelay $0x3  }
0x9c: {  	_ =	strace s3  }
0x9d: {  	_ =	strace $0x8FFFFFFF  }
0x9e: {  	s18 =	sld [smem:$0x3FDB];
	_ =	sdelay $0x1  }
0x9f: {  	s19 =	simm.s32 $_scs_section_size  }
0xa0: {  	s5 =	simm.s32 $_size__tile_overlayer_lowered;
	s6 =	simm.s32 $_tile_overlayer_lowered  }
0xa1: {  	s22 =	simm.s32 $0x1BFF;
	s21 =	sshll.u32 s6, $0x1;
	s3 =	sadd.s32 s19, s18  }
0xa2: {  	s7 =	simm.s32 $0x0;
	s20 =	sshll.u32 s5, $0x1;
	s5 =	sadd.s32 s21, s3  }
0xa3: {  	[timem:s7], [sflag:s22] =	dma.local [hbm:s5], s20  }
0xa4: {  	_ =	swait.ge [sflag:s22], s20  }
0xa5: {  	s4 =	ssub.s32 $0x0, s20;
	[sflag:s22] =	ssyncset.done $0x0  }
0xa6: {  	[sflag:s22] =	ssyncadd.s32 s4;
	_ =	sdelay $0x1  }
0xa7: {  	s23 =	simm.s32 $0x1B8B  }
0xa8: {  	_ =	swait.ge [sflag:s23], $0x1  }
0xa9: {  	[sflag:s23] =	ssyncset.done $0x0  }
0xaa: {  	s25 =	simm.s32 $0x1B8E;
	s24 =	sld [smem:$0x3FFE];
	[sflag:s23] =	ssyncadd.s32 $0xFFFFFFFF  }
0xab: {  	s26 =	simm.s32 $execute0_lowered;
	[smem:$0x3FD2] =	sst s25  }
0xac: {  	s5 =	sshll.u32 s26, $0x1;
	_ =	strace $0x80000046;
	[dreg:$0x1] =	wrdreg $0xFFFFFFFF  }
0xad: {  	s28 =	simm.s32 $_size_execute0_lowered;
	s3 =	sadd.s32 s3, s5;
	[dreg:$0x0] =	wrdreg $0x0  }
0xae: {  	s5 =	sshll.u32 s28, $0x1;
	[dreg:$0x2] =	wrdreg s3  }
0xaf: {  	[dreg:$0x3] =	wrdreg s5  }
0xb0: {  	[dreg:$0x4] =	wrdreg $0xC0  }
0xb1: {  	_ =	task [dreg:s7], $0x5FFFF  }
0xb2: {  	[dreg:$0x1] =	wrdreg $0xFFFFFFFF  }
0xb3: {  	[dreg:$0x0] =	wrdreg $0x60  }
0xb4: {  	[dreg:$0x2] =	wrdreg s16  }
0xb5: {  	[dreg:$0x3] =	wrdreg s24  }
0xb6: {  	[dreg:$0x4] =	wrdreg $0x9  }
0xb7: {  	_ =	task.clear_ibuf [dreg:s7], $0x5FFFF;
	_ =	strace $0x90000046  }
0xb8: {  	s29 =	simm.s32 $0x9;
	_ =	strace $0x80000048  }
0xb9: {  	_ =	swait.ge [sflag:s29], $0x1  }
0xba: {  	[sflag:s29] =	ssyncadd.s32 $0xFFFFFFFF  }
0xbb: {  	_ =	strace $0x90000048  }
0xbc: {  	_ =	sfence  }
0xbd: {  	s30 =	sld [smem:$0x0];
	_ =	sdelay $0x2  }
0xbe: {  	s31 =	sshll.u32 s1, $0xD;
	s1 =	sshrl.u32 s1, $0x2  }
0xbf: {  	s3 =	sand.u32 $0x4000, s31;
	s1 =	sadd.s32 s1, s30  }
0xc0: {  	s0 =	sor.u32 s3, s0;
	s1 =	sshll.u32 s1, $0x11  }
0xc1: {  	s0 =	sor.u32 s1, s0  }
0xc2: {  	s0 =	sadd.s32 $0x8F2B, s0  }
0xc3: {  	[sflag:s0] =	ssyncadd.remote.s32 $0x1  }
0xc4: {  	_ =	sfence.sel $0xFFFF  }
0xc5: {  	[dreg:$0x0] =	wrdreg $0xFFFFFFFF;
	(pc) =	sbr.abs _section_cstart, $3  }
0xc6: {  	[dreg:$0x1] =	wrdreg $0xFFFFFFFF  }
0xc7: {  	_ =	task.clear_ibuf [dreg:s7], $0x2FFFF;
	_ =	strace $0x9FFFFFFF  }
0xc8: {  	(tm) =	ssettm $0x7FFFFFFF  }
0xc9: {  	_ =	shalt  }
tec
execute0_lowered:
.L_overlay_start_1:
0x0: {  	(tag) =	ssettag $0x1  }
0x1: {  	s1 =	srdreg.scid;
	s0 =	stileid.u32  }
0x2: {  	s6 =	sand.u32 $0x1, s1;
	s4 =	sshll.u32 s0, $0x1  }
0x3: {  	s4 =	sor.u32 s6, s4  }
0x4: {  	p0 =	sgt.u32 s4, $0x18  }
.Ltmp0:
0x5: {  	_ = 	snop;
	(pc) =	sbr.rel @p0 .LBB2_5-.Ltmp0, $4  }
0x6: {  	s2 =	rddreg [dreg:$0x0]  }
0x7: {  	s5 =	rddreg [dreg:$0x1];
	s3 =	simm.s32 $0x0  }
0x8: {  	[smem:$0x7FF] =	sst s3  }
0x9: {  	s1 =	rddreg [dreg:$0x2];
	_ =	strace $0x80000047  }
0xa: {  	s4 =	smul.u32 $0x640, s4  }
0xb: {  	s6 =	ssub.s32 $0x2, s6  }
0xc: {  	s9 =	simm.s32 $0x0;
	s8 =	sshrl.u32 s6, $0x1;
	s7 =	sshrl.u32 s4, $0x3  }
0xd: {  	s6 =	ssub.s32 s6, s8;
	s8 =	simm.s32 $0x80;
	s5 =	sadd.s32 s7, s5  }
0xe: {  	v0 =	vlaneseq.u32;
	v1 =	vimm.f32 $0.0e+00;
	s6 =	smax.u32 s6, $0x1;
	s7 =	simm.s32 $0x1;
	s5 =	sadd.s32 $0x1000, s5  }
.LBB2_2:
0xf: {  	s10 =	simm.s32 $0x0  }
0x10: {  	[tilespmem:s10], [sflag:$0x1] =	stream.linear.gather [hbm4b:s2+s10], $0x80, $0x38;
	[tilespmem:$0x700] =	vst v63  }
0x11: {  	_ =	swait.ge [sflag:s7], $0x80  }
0x12: {  	[sflag:s7] =	ssyncset.done $0x0  }
0x13: {  	[sflag:s7] =	ssyncadd.s32 $0xFFFFFF80  }
0x14: {  	v2 =	vld [tilespmem:$0x0]  }
0x15: {  	v3 =	vld [tilespmem:$0x10]  }
0x16: {  	v4 =	vld [tilespmem:$0x20];
	_ =	sdelay $0x2  }
0x17: {  	v5 =	vor.u32 s4, v0  }
0x18: {  	vm0 =	veq.s32 v5, v2;
	vm1 =	veq.s32 v5, v3  }
0x19: {  	vm15 =	veq.s32 v5, v4;
	vm0 =	vmor vm0, vm1  }
0x1a: {  	vm0 =	vmor vm15, vm0  }
0x1b: {  	s12 =	simm.s32 $0x0;
	s11 =	smov.u32 s4;
	s10 =	simm.s32 $0x40;
	v5 =	vsel vm0, $0x3F800000, v1  }
.LBB2_3:
0x1c: {  	p0 =	sne.s32 s10, $0x18C0  }
0x1d: {  	[tilespmem:s12+$0x80] =	vst v5;
	s11 =	sadd.s32 $0x10, s11;
	s12 =	smov.u32 s10;
	s10 =	sadd.s32 $0x40, s10  }
.Ltmp1:
0x1e: {  	v5 =	vor.u32 s11, v0;
	(pc) =	sbr.rel @p0 .LBB2_3-.Ltmp1, $4  }
0x1f: {  	vm0 =	veq.s32 v5, v2;
	vm1 =	veq.s32 v5, v3  }
0x20: {  	vm0 =	vmor vm0, vm1;
	vm1 =	veq.s32 v5, v4  }
0x21: {  	vm0 =	vmor vm1, vm0  }
0x22: {  	s12 =	sshra.s32 s12, $0x2;
	v5 =	vsel vm0, $0x3F800000, v1  }
0x23: {  	s9 =	sadd.s32 $0x1, s9  }
0x24: {  	p0 =	sne.s32 s9, s6  }
.Ltmp2:
0x25: {  	[tilespmem:s12+$0x80] =	vst v5;
	(pc) =	sbr.rel @p0 .LBB2_2-.Ltmp2, $4  }
0x26: {  	[hbm4b:s5+s3] =	stream.linear.scatter [tilespmem:s8], [sflag:$0x1], $0x640, $0x38;
	[tilespmem:$0x700] =	vst v63  }
0x27: {  	_ =	swait.ge [sflag:s7], $0x640  }
0x28: {  	[sflag:s7] =	ssyncset.done $0x0  }
0x29: {  	[sflag:s7] =	ssyncadd.s32 $0xFFFFF9C0  }
.LBB2_5:
0x2a: {  	_ =	sfence.sel $0x180000  }
0x2b: {  	[bflag:$0x0] =	sbarrier.arrive $0xFFFF  }
0x2c: {  	p0 =	sne.s32 s0, $0x0;
	_ =	strace $0x90000047  }
0x2d: {  	s0 =	sadd.s32 @!p0 $0x100000, s1;
	[bflag:$0x2] =	sbarrier.arrive $0xFFFF  }
0x2e: {  	[sflag:s0] =	ssyncadd.tile.s32 @!p0 $0x1;
	_ =	shalt  }
.Lfunc_end2:
_tile_overlayer_lowered:
.L_overlay_start_2:
0x2f: {  	(tag) =	ssettag $0x2  }
0x30: {  	s0 =	rddreg [dreg:$0x0];
	s2 =	stileid.u32  }
0x31: {  	s1 =	rddreg [dreg:$0x1];
	p0 =	sne.s32 s2, $0x0  }
0x32: {  	s3 =	rddreg [dreg:$0x2];
	[bflag:$0x3] =	sbarrier.arrive $0xFFFF;
	s2 =	simm.s32 @!p0 $0x1C01  }
0x33: {  	[timem:s3], [sflag:s2] =	dma.local @!p0 [hbm:s0], s1  }
0x34: {  	s0 =	simm.s32 @!p0 $0x1  }
0x35: {  	_ =	swait.ge @!p0 [sflag:s0], s1  }
0x36: {  	s1 =	ssub.s32 @!p0 $0x0, s1;
	[sflag:s0] =	ssyncset.done @!p0 $0x0  }
0x37: {  	[sflag:s0] =	ssyncadd.s32 @!p0 s1  }
0x38: {  	[bflag:$0x3] =	sbarrier.arrive $0xFFFF  }
0x39: {  	_ =	shalt  }

</sc_bundles>
